<compile_context>
chip_gen: v7x
topology: tpu7x:2x2x1
jax: 0.10.2.dev20260603
libtpu: 0.0.44.dev20260713+nightly
codegen_flags: <defaults>
</compile_context>

<pallas_src>
import functools

import jax
import jax.numpy as jnp
from jax import lax
from jax.experimental import pallas as pl
from jax.experimental.pallas import tpu as pltpu
from jax.experimental.pallas import tpu_sc as plsc

N = 1048576
NC = 2
NS = 16
NW = NC * NS
C = N // NW
L = 16
J = C // L
ND = 4
SZ = C // ND
SZV = SZ // L

_mesh = plsc.VectorSubcoreMesh(core_axis_name="c", subcore_axis_name="s",
                               num_cores=NC)


@functools.partial(
    pl.kernel,
    mesh=_mesh,
    out_type=jax.ShapeDtypeStruct((NW, L), jnp.int32),
    scratch_types=[
        pltpu.VMEM((C + L,), jnp.float32),
        pltpu.VMEM((L,), jnp.int32),
        pltpu.SemaphoreType.DMA,
        pltpu.SemaphoreType.DMA,
        pltpu.SemaphoreType.DMA,
        pltpu.SemaphoreType.DMA,
    ],
)
def _uc_kernel(x_hbm, flag_hbm, buf, stage_f, sem0, sem1, sem2, sem3):
    c = lax.axis_index("c")
    s = lax.axis_index("s")
    w = c * NS + s
    base = w * C
    ones = jnp.full((L,), 1, jnp.int32)
    zeros = jnp.full((L,), 0, jnp.int32)
    sems = [sem0, sem1, sem2, sem3]

    for d in range(ND - 1):
        pltpu.async_copy(x_hbm.at[pl.ds(base + d * SZ, SZ + 8)],
                         buf.at[pl.ds(d * SZ, SZ + 8)], sems[d])
    _last = (ND - 1) * SZ

    @pl.when(w < NW - 1)
    def _():
        pltpu.async_copy(x_hbm.at[pl.ds(base + _last, SZ + 8)],
                         buf.at[pl.ds(_last, SZ + 8)], sems[ND - 1])

    @pl.when(w == NW - 1)
    def _():
        pltpu.async_copy(x_hbm.at[pl.ds(base + _last, SZ)],
                         buf.at[pl.ds(_last, SZ)], sems[ND - 1])

    U = 8

    def compute_sub(d, carry0):
        @plsc.parallel_loop(0, SZV, step=U, unroll=2, carry=carry0)
        def body(v, carry):
            acc, cnt = carry
            for k in range(U):
                off = d * SZ + (v + k) * L
                a = buf[pl.ds(off, L)]
                b = buf[pl.ds(off + 1, L)]
                neq = a != b
                acc = acc & (b == b)
                cnt = cnt + jnp.where(neq, ones, zeros)
            return acc, cnt

        return body

    pltpu.make_async_copy(x_hbm.at[pl.ds(base, SZ + 8)],
                          buf.at[pl.ds(0, SZ + 8)], sems[0]).wait()
    v0 = buf[pl.ds(0, L)]
    carry = (v0 == v0, jnp.zeros((L,), jnp.int32))
    carry = compute_sub(0, carry)
    for d in range(1, ND - 1):
        pltpu.make_async_copy(x_hbm.at[pl.ds(base + d * SZ, SZ + 8)],
                              buf.at[pl.ds(d * SZ, SZ + 8)], sems[d]).wait()
        carry = compute_sub(d, carry)

    @pl.when(w < NW - 1)
    def _():
        pltpu.make_async_copy(x_hbm.at[pl.ds(base + _last, SZ + 8)],
                              buf.at[pl.ds(_last, SZ + 8)], sems[ND - 1]).wait()

    @pl.when(w == NW - 1)
    def _():
        pltpu.make_async_copy(x_hbm.at[pl.ds(base + _last, SZ)],
                              buf.at[pl.ds(_last, SZ)], sems[ND - 1]).wait()
        buf[pl.ds(C, L)] = buf[pl.ds(C - 1, L)]

    acc, cnt = compute_sub(ND - 1, carry)

    f = jnp.minimum(jnp.where(acc, ones, zeros),
                    jnp.where(cnt == cnt, ones, zeros))
    stage_f[...] = f
    pltpu.sync_copy(stage_f, flag_hbm.at[w])


def kernel(x):
    flags = _uc_kernel(x)
    return jnp.all(flags != 0)

# --- scband reference (transcript-rebuilt; emitter-appended) ---
"""Pipeline reference for scband-my-model-61933428414362 (READ-ONLY COPY).

The authoritative reference and input builder live on the scoring server;
editing this copy changes nothing except your own understanding.
"""

import jax, jax.numpy as jnp
import numpy as np


def _unique_consecutive_1d(a):
    # torch.unique_consecutive on a flattened tensor
    n = a.shape[0]
    if n == 0:
        return a, jnp.zeros((), dtype=jnp.int32)
    mask = jnp.concatenate([jnp.ones((1,), dtype=bool), a[1:] != a[:-1]])
    count = jnp.sum(mask)
    pos = jnp.where(mask, jnp.cumsum(mask) - 1, n)
    packed = jnp.zeros((n,), dtype=a.dtype).at[pos].set(a, mode="drop")
    return packed, count


def _unique_consecutive_dim0(a):
    # torch.unique_consecutive(x, dim=0): dedup consecutive equal rows
    if a.ndim == 1:
        return _unique_consecutive_1d(a)
    n = a.shape[0]
    if n == 0:
        return a, jnp.zeros((), dtype=jnp.int32)
    diff = jnp.any((a[1:] != a[:-1]).reshape(n - 1, -1), axis=1)
    mask = jnp.concatenate([jnp.ones((1,), dtype=bool), diff])
    count = jnp.sum(mask)
    pos = jnp.where(mask, jnp.cumsum(mask) - 1, n)
    packed = jnp.zeros(a.shape, dtype=a.dtype).at[pos].set(a, mode="drop")
    return packed, count


def setup_inputs(seed: int = 0) -> dict:
    key = jax.random.key(seed)
    x = jax.random.uniform(key, (1048576,), dtype=jnp.float32)
    return {"x": x}


def reference(x):
    packed_dim0, count_dim0 = _unique_consecutive_dim0(x)
    packed_default, count_default = _unique_consecutive_1d(x.reshape(-1))
    if x.ndim == 1:
        # for 1D input both paths produce identical shapes, so elementwise compare is valid
        valid = jnp.arange(packed_dim0.shape[0]) < count_dim0
        same_vals = jnp.all(jnp.where(valid, packed_dim0 == packed_default, True))
        return same_vals & (count_dim0 == count_default)
    else:
        return jnp.array(False, dtype=bool)

if __name__ == "__main__":
    import jax
    _d = setup_inputs()
    print(jax.jit(kernel)(*tuple(_d.values())))

</pallas_src>

<mosaic_0001>
#map = affine_map<(d0, d1) -> (0)>
#map1 = affine_map<(d0, d1) -> (0, 0)>
module attributes {stable_mosaic.version = 14 : i64} {
  func.func @_uc_kernel(%arg0: i32, %arg1: i32, %arg2: memref<1048576xf32, #tpu.memory_space<hbm>>, %arg3: memref<32x16xi32, #tpu.memory_space<hbm>>, %arg4: memref<32784xf32, #tpu.memory_space<vmem>>, %arg5: memref<16xi32, #tpu.memory_space<vmem>>, %arg6: memref<!tpu.dma_semaphore, #tpu.memory_space<semaphore_mem>>, %arg7: memref<!tpu.dma_semaphore, #tpu.memory_space<semaphore_mem>>, %arg8: memref<!tpu.dma_semaphore, #tpu.memory_space<semaphore_mem>>, %arg9: memref<!tpu.dma_semaphore, #tpu.memory_space<semaphore_mem>>) attributes {dimension_semantics = [#tpu.dimension_semantics<core_parallel>, #tpu.dimension_semantics<subcore_parallel>], iteration_bounds = array<i64: 2, 16>, scalar_prefetch = 0 : i64, scratch_operands = 6 : i64, tpu.core_type = #tpu.core_type<sc_vector_subcore>, window_params = [{transform_indices = #map}, {transform_indices = #map1}]} {
    %mul3A = arith.constant 16 : i32
    %mul3A_0 = arith.muli %arg0, %mul3A : i32
    %add3A = arith.addi %mul3A_0, %arg1 : i32
    %mul3A_1 = arith.constant 32768 : i32
    %mul3A_2 = arith.muli %add3A, %mul3A_1 : i32
    %broadcast_in_dim3A = arith.constant 1 : i32
    %broadcast_in_dim3A_3 = vector.broadcast %broadcast_in_dim3A : i32 to vector<16xi32>
    %broadcast_in_dim3A_4 = arith.constant 0 : i32
    %broadcast_in_dim3A_5 = vector.broadcast %broadcast_in_dim3A_4 : i32 to vector<16xi32>
    %add3A_6 = arith.constant 0 : i32
    %add3A_7 = arith.addi %mul3A_2, %add3A_6 : i32
    %dma_start3A = arith.constant 0 : i32
    %dma_start3A_8 = tpu.memref_slice %arg4[%dma_start3A] : memref<32784xf32, #tpu.memory_space<vmem>> -> memref<8200xf32, #tpu.memory_space<vmem>>
    %dma_start3A_9 = tpu.memref_slice %arg2[%add3A_7] : memref<1048576xf32, #tpu.memory_space<hbm>> -> memref<8200xf32, #tpu.memory_space<hbm>>
    %dma_start3A_10 = arith.constant 0 : i32
    %dma_start3A_11 = tpu.memref_slice %arg4[%dma_start3A_10] : memref<32784xf32, #tpu.memory_space<vmem>> -> memref<8200xf32, #tpu.memory_space<vmem>>
    %dma_start3A_12 = tpu.memref_slice %arg2[%add3A_7] : memref<1048576xf32, #tpu.memory_space<hbm>> -> memref<8200xf32, #tpu.memory_space<hbm>>
    tpu.enqueue_dma source(%dma_start3A_12 : memref<8200xf32, #tpu.memory_space<hbm>>) target(%dma_start3A_11 : memref<8200xf32, #tpu.memory_space<vmem>>) target_semaphore(%arg6 : memref<!tpu.dma_semaphore, #tpu.memory_space<semaphore_mem>>)
    %add3A_13 = arith.constant 8192 : i32
    %add3A_14 = arith.addi %mul3A_2, %add3A_13 : i32
    %dma_start3A_15 = arith.constant 8192 : i32
    %dma_start3A_16 = tpu.memref_slice %arg4[%dma_start3A_15] : memref<32784xf32, #tpu.memory_space<vmem>> -> memref<8200xf32, #tpu.memory_space<vmem>>
    %dma_start3A_17 = tpu.memref_slice %arg2[%add3A_14] : memref<1048576xf32, #tpu.memory_space<hbm>> -> memref<8200xf32, #tpu.memory_space<hbm>>
    %dma_start3A_18 = arith.constant 8192 : i32
    %dma_start3A_19 = tpu.memref_slice %arg4[%dma_start3A_18] : memref<32784xf32, #tpu.memory_space<vmem>> -> memref<8200xf32, #tpu.memory_space<vmem>>
    %dma_start3A_20 = tpu.memref_slice %arg2[%add3A_14] : memref<1048576xf32, #tpu.memory_space<hbm>> -> memref<8200xf32, #tpu.memory_space<hbm>>
    tpu.enqueue_dma source(%dma_start3A_20 : memref<8200xf32, #tpu.memory_space<hbm>>) target(%dma_start3A_19 : memref<8200xf32, #tpu.memory_space<vmem>>) target_semaphore(%arg7 : memref<!tpu.dma_semaphore, #tpu.memory_space<semaphore_mem>>)
    %add3A_21 = arith.constant 16384 : i32
    %add3A_22 = arith.addi %mul3A_2, %add3A_21 : i32
    %dma_start3A_23 = arith.constant 16384 : i32
    %dma_start3A_24 = tpu.memref_slice %arg4[%dma_start3A_23] : memref<32784xf32, #tpu.memory_space<vmem>> -> memref<8200xf32, #tpu.memory_space<vmem>>
    %dma_start3A_25 = tpu.memref_slice %arg2[%add3A_22] : memref<1048576xf32, #tpu.memory_space<hbm>> -> memref<8200xf32, #tpu.memory_space<hbm>>
    %dma_start3A_26 = arith.constant 16384 : i32
    %dma_start3A_27 = tpu.memref_slice %arg4[%dma_start3A_26] : memref<32784xf32, #tpu.memory_space<vmem>> -> memref<8200xf32, #tpu.memory_space<vmem>>
    %dma_start3A_28 = tpu.memref_slice %arg2[%add3A_22] : memref<1048576xf32, #tpu.memory_space<hbm>> -> memref<8200xf32, #tpu.memory_space<hbm>>
    tpu.enqueue_dma source(%dma_start3A_28 : memref<8200xf32, #tpu.memory_space<hbm>>) target(%dma_start3A_27 : memref<8200xf32, #tpu.memory_space<vmem>>) target_semaphore(%arg8 : memref<!tpu.dma_semaphore, #tpu.memory_space<semaphore_mem>>)
    %lt3A = arith.constant 31 : i32
    %lt3A_29 = arith.cmpi slt, %add3A, %lt3A : i32
    %convert_element_type3A = arith.extui %lt3A_29 : i1 to i32
    %cond3A = arith.constant 0 : i32
    %cond3A_30 = arith.cmpi ne, %convert_element_type3A, %cond3A : i32
    scf.if %cond3A_30 {
      %add3A_91 = arith.constant 24576 : i32
      %add3A_92 = arith.addi %mul3A_2, %add3A_91 : i32
      %dma_start3A_93 = arith.constant 24576 : i32
      %dma_start3A_94 = tpu.memref_slice %arg4[%dma_start3A_93] : memref<32784xf32, #tpu.memory_space<vmem>> -> memref<8200xf32, #tpu.memory_space<vmem>>
      %dma_start3A_95 = tpu.memref_slice %arg2[%add3A_92] : memref<1048576xf32, #tpu.memory_space<hbm>> -> memref<8200xf32, #tpu.memory_space<hbm>>
      %dma_start3A_96 = arith.constant 24576 : i32
      %dma_start3A_97 = tpu.memref_slice %arg4[%dma_start3A_96] : memref<32784xf32, #tpu.memory_space<vmem>> -> memref<8200xf32, #tpu.memory_space<vmem>>
      %dma_start3A_98 = tpu.memref_slice %arg2[%add3A_92] : memref<1048576xf32, #tpu.memory_space<hbm>> -> memref<8200xf32, #tpu.memory_space<hbm>>
      tpu.enqueue_dma source(%dma_start3A_98 : memref<8200xf32, #tpu.memory_space<hbm>>) target(%dma_start3A_97 : memref<8200xf32, #tpu.memory_space<vmem>>) target_semaphore(%arg9 : memref<!tpu.dma_semaphore, #tpu.memory_space<semaphore_mem>>)
    } else {
    }
    %eq3A = arith.constant 31 : i32
    %eq3A_31 = arith.cmpi eq, %add3A, %eq3A : i32
    %convert_element_type3A_32 = arith.extui %eq3A_31 : i1 to i32
    %cond3A_33 = arith.constant 0 : i32
    %cond3A_34 = arith.cmpi ne, %convert_element_type3A_32, %cond3A_33 : i32
    scf.if %cond3A_34 {
      %add3A_91 = arith.constant 24576 : i32
      %add3A_92 = arith.addi %mul3A_2, %add3A_91 : i32
      %dma_start3A_93 = arith.constant 24576 : i32
      %dma_start3A_94 = tpu.memref_slice %arg4[%dma_start3A_93] : memref<32784xf32, #tpu.memory_space<vmem>> -> memref<8192xf32, #tpu.memory_space<vmem>>
      %dma_start3A_95 = tpu.memref_slice %arg2[%add3A_92] : memref<1048576xf32, #tpu.memory_space<hbm>> -> memref<8192xf32, #tpu.memory_space<hbm>>
      %dma_start3A_96 = arith.constant 24576 : i32
      %dma_start3A_97 = tpu.memref_slice %arg4[%dma_start3A_96] : memref<32784xf32, #tpu.memory_space<vmem>> -> memref<8192xf32, #tpu.memory_space<vmem>>
      %dma_start3A_98 = tpu.memref_slice %arg2[%add3A_92] : memref<1048576xf32, #tpu.memory_space<hbm>> -> memref<8192xf32, #tpu.memory_space<hbm>>
      tpu.enqueue_dma source(%dma_start3A_98 : memref<8192xf32, #tpu.memory_space<hbm>>) target(%dma_start3A_97 : memref<8192xf32, #tpu.memory_space<vmem>>) target_semaphore(%arg9 : memref<!tpu.dma_semaphore, #tpu.memory_space<semaphore_mem>>)
    } else {
    }
    %dma_wait3A = arith.constant 0 : i32
    %dma_wait3A_35 = tpu.memref_slice %arg4[%dma_wait3A] : memref<32784xf32, #tpu.memory_space<vmem>> -> memref<8200xf32, #tpu.memory_space<vmem>>
    %dma_wait3A_36 = tpu.memref_slice %arg2[%mul3A_2] : memref<1048576xf32, #tpu.memory_space<hbm>> -> memref<8200xf32, #tpu.memory_space<hbm>>
    %dma_wait3A_37 = arith.constant 0 : i32
    %dma_wait3A_38 = tpu.memref_slice %arg4[%dma_wait3A_37] : memref<32784xf32, #tpu.memory_space<vmem>> -> memref<8200xf32, #tpu.memory_space<vmem>>
    %dma_wait3A_39 = tpu.memref_slice %arg2[%mul3A_2] : memref<1048576xf32, #tpu.memory_space<hbm>> -> memref<8200xf32, #tpu.memory_space<hbm>>
    tpu.wait_dma2 semaphore(%arg6 : memref<!tpu.dma_semaphore, #tpu.memory_space<semaphore_mem>>) src(%dma_wait3A_39 : memref<8200xf32, #tpu.memory_space<hbm>>) dst(%dma_wait3A_38 : memref<8200xf32, #tpu.memory_space<vmem>>)
    %get3A = arith.constant 0 : index
    %get3A_40 = tpu.vector_load %arg4[%get3A] {strides = array<i32>} : memref<32784xf32, #tpu.memory_space<vmem>>, vector<16xf32>,
    %get3A_41 = vector.shape_cast %get3A_40 : vector<16xf32> to vector<16xf32>
    %eq3A_42 = arith.cmpf oeq, %get3A_41, %get3A_41 : vector<16xf32>
    %broadcast_in_dim3A_43 = arith.constant 0 : i32
    %broadcast_in_dim3A_44 = vector.broadcast %broadcast_in_dim3A_43 : i32 to vector<16xi32>
    %parallel_loop3A = arith.constant 0 : i32
    %parallel_loop3A_45 = arith.constant 512 : i32
    %parallel_loop3A_46 = arith.constant 8 : i32
    %parallel_loop3A_47:2 = scf.for %parallel_loop3A_91 = %parallel_loop3A to %parallel_loop3A_45 step %parallel_loop3A_46 iter_args(%parallel_loop3A_92 = %eq3A_42, %parallel_loop3A_93 = %broadcast_in_dim3A_44) -> (vector<16xi1>, vector<16xi32>)  : i32 {
      %parallel_loop3A_94 = arith.constant 0 : i32
      %parallel_loop3A_95 = arith.addi %parallel_loop3A_91, %parallel_loop3A_94 : i32
      %parallel_loop3A_96 = arith.constant 16 : i32
      %parallel_loop3A_97 = arith.muli %parallel_loop3A_95, %parallel_loop3A_96 : i32
      %parallel_loop3A_98 = arith.constant 0 : i32
      %parallel_loop3A_99 = arith.addi %parallel_loop3A_98, %parallel_loop3A_97 : i32
      %parallel_loop3A_100 = arith.index_cast %parallel_loop3A_99 : i32 to index
      %parallel_loop3A_101 = tpu.vector_load %arg4[%parallel_loop3A_100] {strides = array<i32>} : memref<32784xf32, #tpu.memory_space<vmem>>, vector<16xf32>,
      %parallel_loop3A_102 = vector.shape_cast %parallel_loop3A_101 : vector<16xf32> to vector<16xf32>
      %parallel_loop3A_103 = arith.constant 1 : i32
      %parallel_loop3A_104 = arith.addi %parallel_loop3A_99, %parallel_loop3A_103 : i32
      %parallel_loop3A_105 = arith.index_cast %parallel_loop3A_104 : i32 to index
      %parallel_loop3A_106 = tpu.vector_load %arg4[%parallel_loop3A_105] {strides = array<i32>} : memref<32784xf32, #tpu.memory_space<vmem>>, vector<16xf32>,
      %parallel_loop3A_107 = vector.shape_cast %parallel_loop3A_106 : vector<16xf32> to vector<16xf32>
      %parallel_loop3A_108 = arith.cmpf one, %parallel_loop3A_102, %parallel_loop3A_107 : vector<16xf32>
      %parallel_loop3A_109 = arith.cmpf oeq, %parallel_loop3A_107, %parallel_loop3A_107 : vector<16xf32>
      %parallel_loop3A_110 = arith.andi %parallel_loop3A_92, %parallel_loop3A_109 : vector<16xi1>
      %parallel_loop3A_111 = arith.select %parallel_loop3A_108, %broadcast_in_dim3A_3, %broadcast_in_dim3A_5 : vector<16xi1>, vector<16xi32>
      %parallel_loop3A_112 = arith.addi %parallel_loop3A_93, %parallel_loop3A_111 : vector<16xi32>
      %parallel_loop3A_113 = arith.constant 1 : i32
      %parallel_loop3A_114 = arith.addi %parallel_loop3A_91, %parallel_loop3A_113 : i32
      %parallel_loop3A_115 = arith.constant 16 : i32
      %parallel_loop3A_116 = arith.muli %parallel_loop3A_114, %parallel_loop3A_115 : i32
      %parallel_loop3A_117 = arith.constant 0 : i32
      %parallel_loop3A_118 = arith.addi %parallel_loop3A_117, %parallel_loop3A_116 : i32
      %parallel_loop3A_119 = arith.index_cast %parallel_loop3A_118 : i32 to index
      %parallel_loop3A_120 = tpu.vector_load %arg4[%parallel_loop3A_119] {strides = array<i32>} : memref<32784xf32, #tpu.memory_space<vmem>>, vector<16xf32>,
      %parallel_loop3A_121 = vector.shape_cast %parallel_loop3A_120 : vector<16xf32> to vector<16xf32>
      %parallel_loop3A_122 = arith.constant 1 : i32
      %parallel_loop3A_123 = arith.addi %parallel_loop3A_118, %parallel_loop3A_122 : i32
      %parallel_loop3A_124 = arith.index_cast %parallel_loop3A_123 : i32 to index
      %parallel_loop3A_125 = tpu.vector_load %arg4[%parallel_loop3A_124] {strides = array<i32>} : memref<32784xf32, #tpu.memory_space<vmem>>, vector<16xf32>,
      %parallel_loop3A_126 = vector.shape_cast %parallel_loop3A_125 : vector<16xf32> to vector<16xf32>
      %parallel_loop3A_127 = arith.cmpf one, %parallel_loop3A_121, %parallel_loop3A_126 : vector<16xf32>
      %parallel_loop3A_128 = arith.cmpf oeq, %parallel_loop3A_126, %parallel_loop3A_126 : vector<16xf32>
      %parallel_loop3A_129 = arith.andi %parallel_loop3A_110, %parallel_loop3A_128 : vector<16xi1>
      %parallel_loop3A_130 = arith.select %parallel_loop3A_127, %broadcast_in_dim3A_3, %broadcast_in_dim3A_5 : vector<16xi1>, vector<16xi32>
      %parallel_loop3A_131 = arith.addi %parallel_loop3A_112, %parallel_loop3A_130 : vector<16xi32>
      %parallel_loop3A_132 = arith.constant 2 : i32
      %parallel_loop3A_133 = arith.addi %parallel_loop3A_91, %parallel_loop3A_132 : i32
      %parallel_loop3A_134 = arith.constant 16 : i32
      %parallel_loop3A_135 = arith.muli %parallel_loop3A_133, %parallel_loop3A_134 : i32
      %parallel_loop3A_136 = arith.constant 0 : i32
      %parallel_loop3A_137 = arith.addi %parallel_loop3A_136, %parallel_loop3A_135 : i32
      %parallel_loop3A_138 = arith.index_cast %parallel_loop3A_137 : i32 to index
      %parallel_loop3A_139 = tpu.vector_load %arg4[%parallel_loop3A_138] {strides = array<i32>} : memref<32784xf32, #tpu.memory_space<vmem>>, vector<16xf32>,
      %parallel_loop3A_140 = vector.shape_cast %parallel_loop3A_139 : vector<16xf32> to vector<16xf32>
      %parallel_loop3A_141 = arith.constant 1 : i32
      %parallel_loop3A_142 = arith.addi %parallel_loop3A_137, %parallel_loop3A_141 : i32
      %parallel_loop3A_143 = arith.index_cast %parallel_loop3A_142 : i32 to index
      %parallel_loop3A_144 = tpu.vector_load %arg4[%parallel_loop3A_143] {strides = array<i32>} : memref<32784xf32, #tpu.memory_space<vmem>>, vector<16xf32>,
      %parallel_loop3A_145 = vector.shape_cast %parallel_loop3A_144 : vector<16xf32> to vector<16xf32>
      %parallel_loop3A_146 = arith.cmpf one, %parallel_loop3A_140, %parallel_loop3A_145 : vector<16xf32>
      %parallel_loop3A_147 = arith.cmpf oeq, %parallel_loop3A_145, %parallel_loop3A_145 : vector<16xf32>
      %parallel_loop3A_148 = arith.andi %parallel_loop3A_129, %parallel_loop3A_147 : vector<16xi1>
      %parallel_loop3A_149 = arith.select %parallel_loop3A_146, %broadcast_in_dim3A_3, %broadcast_in_dim3A_5 : vector<16xi1>, vector<16xi32>
      %parallel_loop3A_150 = arith.addi %parallel_loop3A_131, %parallel_loop3A_149 : vector<16xi32>
      %parallel_loop3A_151 = arith.constant 3 : i32
      %parallel_loop3A_152 = arith.addi %parallel_loop3A_91, %parallel_loop3A_151 : i32
      %parallel_loop3A_153 = arith.constant 16 : i32
      %parallel_loop3A_154 = arith.muli %parallel_loop3A_152, %parallel_loop3A_153 : i32
      %parallel_loop3A_155 = arith.constant 0 : i32
      %parallel_loop3A_156 = arith.addi %parallel_loop3A_155, %parallel_loop3A_154 : i32
      %parallel_loop3A_157 = arith.index_cast %parallel_loop3A_156 : i32 to index
      %parallel_loop3A_158 = tpu.vector_load %arg4[%parallel_loop3A_157] {strides = array<i32>} : memref<32784xf32, #tpu.memory_space<vmem>>, vector<16xf32>,
      %parallel_loop3A_159 = vector.shape_cast %parallel_loop3A_158 : vector<16xf32> to vector<16xf32>
      %parallel_loop3A_160 = arith.constant 1 : i32
      %parallel_loop3A_161 = arith.addi %parallel_loop3A_156, %parallel_loop3A_160 : i32
      %parallel_loop3A_162 = arith.index_cast %parallel_loop3A_161 : i32 to index
      %parallel_loop3A_163 = tpu.vector_load %arg4[%parallel_loop3A_162] {strides = array<i32>} : memref<32784xf32, #tpu.memory_space<vmem>>, vector<16xf32>,
      %parallel_loop3A_164 = vector.shape_cast %parallel_loop3A_163 : vector<16xf32> to vector<16xf32>
      %parallel_loop3A_165 = arith.cmpf one, %parallel_loop3A_159, %parallel_loop3A_164 : vector<16xf32>
      %parallel_loop3A_166 = arith.cmpf oeq, %parallel_loop3A_164, %parallel_loop3A_164 : vector<16xf32>
      %parallel_loop3A_167 = arith.andi %parallel_loop3A_148, %parallel_loop3A_166 : vector<16xi1>
      %parallel_loop3A_168 = arith.select %parallel_loop3A_165, %broadcast_in_dim3A_3, %broadcast_in_dim3A_5 : vector<16xi1>, vector<16xi32>
      %parallel_loop3A_169 = arith.addi %parallel_loop3A_150, %parallel_loop3A_168 : vector<16xi32>
      %parallel_loop3A_170 = arith.constant 4 : i32
      %parallel_loop3A_171 = arith.addi %parallel_loop3A_91, %parallel_loop3A_170 : i32
      %parallel_loop3A_172 = arith.constant 16 : i32
      %parallel_loop3A_173 = arith.muli %parallel_loop3A_171, %parallel_loop3A_172 : i32
      %parallel_loop3A_174 = arith.constant 0 : i32
      %parallel_loop3A_175 = arith.addi %parallel_loop3A_174, %parallel_loop3A_173 : i32
      %parallel_loop3A_176 = arith.index_cast %parallel_loop3A_175 : i32 to index
      %parallel_loop3A_177 = tpu.vector_load %arg4[%parallel_loop3A_176] {strides = array<i32>} : memref<32784xf32, #tpu.memory_space<vmem>>, vector<16xf32>,
      %parallel_loop3A_178 = vector.shape_cast %parallel_loop3A_177 : vector<16xf32> to vector<16xf32>
      %parallel_loop3A_179 = arith.constant 1 : i32
      %parallel_loop3A_180 = arith.addi %parallel_loop3A_175, %parallel_loop3A_179 : i32
      %parallel_loop3A_181 = arith.index_cast %parallel_loop3A_180 : i32 to index
      %parallel_loop3A_182 = tpu.vector_load %arg4[%parallel_loop3A_181] {strides = array<i32>} : memref<32784xf32, #tpu.memory_space<vmem>>, vector<16xf32>,
      %parallel_loop3A_183 = vector.shape_cast %parallel_loop3A_182 : vector<16xf32> to vector<16xf32>
      %parallel_loop3A_184 = arith.cmpf one, %parallel_loop3A_178, %parallel_loop3A_183 : vector<16xf32>
      %parallel_loop3A_185 = arith.cmpf oeq, %parallel_loop3A_183, %parallel_loop3A_183 : vector<16xf32>
      %parallel_loop3A_186 = arith.andi %parallel_loop3A_167, %parallel_loop3A_185 : vector<16xi1>
      %parallel_loop3A_187 = arith.select %parallel_loop3A_184, %broadcast_in_dim3A_3, %broadcast_in_dim3A_5 : vector<16xi1>, vector<16xi32>
      %parallel_loop3A_188 = arith.addi %parallel_loop3A_169, %parallel_loop3A_187 : vector<16xi32>
      %parallel_loop3A_189 = arith.constant 5 : i32
      %parallel_loop3A_190 = arith.addi %parallel_loop3A_91, %parallel_loop3A_189 : i32
      %parallel_loop3A_191 = arith.constant 16 : i32
      %parallel_loop3A_192 = arith.muli %parallel_loop3A_190, %parallel_loop3A_191 : i32
      %parallel_loop3A_193 = arith.constant 0 : i32
      %parallel_loop3A_194 = arith.addi %parallel_loop3A_193, %parallel_loop3A_192 : i32
      %parallel_loop3A_195 = arith.index_cast %parallel_loop3A_194 : i32 to index
      %parallel_loop3A_196 = tpu.vector_load %arg4[%parallel_loop3A_195] {strides = array<i32>} : memref<32784xf32, #tpu.memory_space<vmem>>, vector<16xf32>,
      %parallel_loop3A_197 = vector.shape_cast %parallel_loop3A_196 : vector<16xf32> to vector<16xf32>
      %parallel_loop3A_198 = arith.constant 1 : i32
      %parallel_loop3A_199 = arith.addi %parallel_loop3A_194, %parallel_loop3A_198 : i32
      %parallel_loop3A_200 = arith.index_cast %parallel_loop3A_199 : i32 to index
      %parallel_loop3A_201 = tpu.vector_load %arg4[%parallel_loop3A_200] {strides = array<i32>} : memref<32784xf32, #tpu.memory_space<vmem>>, vector<16xf32>,
      %parallel_loop3A_202 = vector.shape_cast %parallel_loop3A_201 : vector<16xf32> to vector<16xf32>
      %parallel_loop3A_203 = arith.cmpf one, %parallel_loop3A_197, %parallel_loop3A_202 : vector<16xf32>
      %parallel_loop3A_204 = arith.cmpf oeq, %parallel_loop3A_202, %parallel_loop3A_202 : vector<16xf32>
      %parallel_loop3A_205 = arith.andi %parallel_loop3A_186, %parallel_loop3A_204 : vector<16xi1>
      %parallel_loop3A_206 = arith.select %parallel_loop3A_203, %broadcast_in_dim3A_3, %broadcast_in_dim3A_5 : vector<16xi1>, vector<16xi32>
      %parallel_loop3A_207 = arith.addi %parallel_loop3A_188, %parallel_loop3A_206 : vector<16xi32>
      %parallel_loop3A_208 = arith.constant 6 : i32
      %parallel_loop3A_209 = arith.addi %parallel_loop3A_91, %parallel_loop3A_208 : i32
      %parallel_loop3A_210 = arith.constant 16 : i32
      %parallel_loop3A_211 = arith.muli %parallel_loop3A_209, %parallel_loop3A_210 : i32
      %parallel_loop3A_212 = arith.constant 0 : i32
      %parallel_loop3A_213 = arith.addi %parallel_loop3A_212, %parallel_loop3A_211 : i32
      %parallel_loop3A_214 = arith.index_cast %parallel_loop3A_213 : i32 to index
      %parallel_loop3A_215 = tpu.vector_load %arg4[%parallel_loop3A_214] {strides = array<i32>} : memref<32784xf32, #tpu.memory_space<vmem>>, vector<16xf32>,
      %parallel_loop3A_216 = vector.shape_cast %parallel_loop3A_215 : vector<16xf32> to vector<16xf32>
      %parallel_loop3A_217 = arith.constant 1 : i32
      %parallel_loop3A_218 = arith.addi %parallel_loop3A_213, %parallel_loop3A_217 : i32
      %parallel_loop3A_219 = arith.index_cast %parallel_loop3A_218 : i32 to index
      %parallel_loop3A_220 = tpu.vector_load %arg4[%parallel_loop3A_219] {strides = array<i32>} : memref<32784xf32, #tpu.memory_space<vmem>>, vector<16xf32>,
      %parallel_loop3A_221 = vector.shape_cast %parallel_loop3A_220 : vector<16xf32> to vector<16xf32>
      %parallel_loop3A_222 = arith.cmpf one, %parallel_loop3A_216, %parallel_loop3A_221 : vector<16xf32>
      %parallel_loop3A_223 = arith.cmpf oeq, %parallel_loop3A_221, %parallel_loop3A_221 : vector<16xf32>
      %parallel_loop3A_224 = arith.andi %parallel_loop3A_205, %parallel_loop3A_223 : vector<16xi1>
      %parallel_loop3A_225 = arith.select %parallel_loop3A_222, %broadcast_in_dim3A_3, %broadcast_in_dim3A_5 : vector<16xi1>, vector<16xi32>
      %parallel_loop3A_226 = arith.addi %parallel_loop3A_207, %parallel_loop3A_225 : vector<16xi32>
      %parallel_loop3A_227 = arith.constant 7 : i32
      %parallel_loop3A_228 = arith.addi %parallel_loop3A_91, %parallel_loop3A_227 : i32
      %parallel_loop3A_229 = arith.constant 16 : i32
      %parallel_loop3A_230 = arith.muli %parallel_loop3A_228, %parallel_loop3A_229 : i32
      %parallel_loop3A_231 = arith.constant 0 : i32
      %parallel_loop3A_232 = arith.addi %parallel_loop3A_231, %parallel_loop3A_230 : i32
      %parallel_loop3A_233 = arith.index_cast %parallel_loop3A_232 : i32 to index
      %parallel_loop3A_234 = tpu.vector_load %arg4[%parallel_loop3A_233] {strides = array<i32>} : memref<32784xf32, #tpu.memory_space<vmem>>, vector<16xf32>,
      %parallel_loop3A_235 = vector.shape_cast %parallel_loop3A_234 : vector<16xf32> to vector<16xf32>
      %parallel_loop3A_236 = arith.constant 1 : i32
      %parallel_loop3A_237 = arith.addi %parallel_loop3A_232, %parallel_loop3A_236 : i32
      %parallel_loop3A_238 = arith.index_cast %parallel_loop3A_237 : i32 to index
      %parallel_loop3A_239 = tpu.vector_load %arg4[%parallel_loop3A_238] {strides = array<i32>} : memref<32784xf32, #tpu.memory_space<vmem>>, vector<16xf32>,
      %parallel_loop3A_240 = vector.shape_cast %parallel_loop3A_239 : vector<16xf32> to vector<16xf32>
      %parallel_loop3A_241 = arith.cmpf one, %parallel_loop3A_235, %parallel_loop3A_240 : vector<16xf32>
      %parallel_loop3A_242 = arith.cmpf oeq, %parallel_loop3A_240, %parallel_loop3A_240 : vector<16xf32>
      %parallel_loop3A_243 = arith.andi %parallel_loop3A_224, %parallel_loop3A_242 : vector<16xi1>
      %parallel_loop3A_244 = arith.select %parallel_loop3A_241, %broadcast_in_dim3A_3, %broadcast_in_dim3A_5 : vector<16xi1>, vector<16xi32>
      %parallel_loop3A_245 = arith.addi %parallel_loop3A_226, %parallel_loop3A_244 : vector<16xi32>
      scf.yield %parallel_loop3A_243, %parallel_loop3A_245 : vector<16xi1>, vector<16xi32>
    } {sc.loop_unroll_factor = 2 : i64, sc.parallel_access}
    %add3A_48 = arith.constant 8192 : i32
    %add3A_49 = arith.addi %mul3A_2, %add3A_48 : i32
    %dma_wait3A_50 = arith.constant 8192 : i32
    %dma_wait3A_51 = tpu.memref_slice %arg4[%dma_wait3A_50] : memref<32784xf32, #tpu.memory_space<vmem>> -> memref<8200xf32, #tpu.memory_space<vmem>>
    %dma_wait3A_52 = tpu.memref_slice %arg2[%add3A_49] : memref<1048576xf32, #tpu.memory_space<hbm>> -> memref<8200xf32, #tpu.memory_space<hbm>>
    %dma_wait3A_53 = arith.constant 8192 : i32
    %dma_wait3A_54 = tpu.memref_slice %arg4[%dma_wait3A_53] : memref<32784xf32, #tpu.memory_space<vmem>> -> memref<8200xf32, #tpu.memory_space<vmem>>
    %dma_wait3A_55 = tpu.memref_slice %arg2[%add3A_49] : memref<1048576xf32, #tpu.memory_space<hbm>> -> memref<8200xf32, #tpu.memory_space<hbm>>
    tpu.wait_dma2 semaphore(%arg7 : memref<!tpu.dma_semaphore, #tpu.memory_space<semaphore_mem>>) src(%dma_wait3A_55 : memref<8200xf32, #tpu.memory_space<hbm>>) dst(%dma_wait3A_54 : memref<8200xf32, #tpu.memory_space<vmem>>)
    %parallel_loop3A_56 = arith.constant 0 : i32
    %parallel_loop3A_57 = arith.constant 512 : i32
    %parallel_loop3A_58 = arith.constant 8 : i32
    %parallel_loop3A_59:2 = scf.for %parallel_loop3A_91 = %parallel_loop3A_56 to %parallel_loop3A_57 step %parallel_loop3A_58 iter_args(%parallel_loop3A_92 = %parallel_loop3A_47#0, %parallel_loop3A_93 = %parallel_loop3A_47#1) -> (vector<16xi1>, vector<16xi32>)  : i32 {
      %parallel_loop3A_94 = arith.constant 0 : i32
      %parallel_loop3A_95 = arith.addi %parallel_loop3A_91, %parallel_loop3A_94 : i32
      %parallel_loop3A_96 = arith.constant 16 : i32
      %parallel_loop3A_97 = arith.muli %parallel_loop3A_95, %parallel_loop3A_96 : i32
      %parallel_loop3A_98 = arith.constant 8192 : i32
      %parallel_loop3A_99 = arith.addi %parallel_loop3A_98, %parallel_loop3A_97 : i32
      %parallel_loop3A_100 = arith.index_cast %parallel_loop3A_99 : i32 to index
      %parallel_loop3A_101 = tpu.vector_load %arg4[%parallel_loop3A_100] {strides = array<i32>} : memref<32784xf32, #tpu.memory_space<vmem>>, vector<16xf32>,
      %parallel_loop3A_102 = vector.shape_cast %parallel_loop3A_101 : vector<16xf32> to vector<16xf32>
      %parallel_loop3A_103 = arith.constant 1 : i32
      %parallel_loop3A_104 = arith.addi %parallel_loop3A_99, %parallel_loop3A_103 : i32
      %parallel_loop3A_105 = arith.index_cast %parallel_loop3A_104 : i32 to index
      %parallel_loop3A_106 = tpu.vector_load %arg4[%parallel_loop3A_105] {strides = array<i32>} : memref<32784xf32, #tpu.memory_space<vmem>>, vector<16xf32>,
      %parallel_loop3A_107 = vector.shape_cast %parallel_loop3A_106 : vector<16xf32> to vector<16xf32>
      %parallel_loop3A_108 = arith.cmpf one, %parallel_loop3A_102, %parallel_loop3A_107 : vector<16xf32>
      %parallel_loop3A_109 = arith.cmpf oeq, %parallel_loop3A_107, %parallel_loop3A_107 : vector<16xf32>
      %parallel_loop3A_110 = arith.andi %parallel_loop3A_92, %parallel_loop3A_109 : vector<16xi1>
      %parallel_loop3A_111 = arith.select %parallel_loop3A_108, %broadcast_in_dim3A_3, %broadcast_in_dim3A_5 : vector<16xi1>, vector<16xi32>
      %parallel_loop3A_112 = arith.addi %parallel_loop3A_93, %parallel_loop3A_111 : vector<16xi32>
      %parallel_loop3A_113 = arith.constant 1 : i32
      %parallel_loop3A_114 = arith.addi %parallel_loop3A_91, %parallel_loop3A_113 : i32
      %parallel_loop3A_115 = arith.constant 16 : i32
      %parallel_loop3A_116 = arith.muli %parallel_loop3A_114, %parallel_loop3A_115 : i32
      %parallel_loop3A_117 = arith.constant 8192 : i32
      %parallel_loop3A_118 = arith.addi %parallel_loop3A_117, %parallel_loop3A_116 : i32
      %parallel_loop3A_119 = arith.index_cast %parallel_loop3A_118 : i32 to index
      %parallel_loop3A_120 = tpu.vector_load %arg4[%parallel_loop3A_119] {strides = array<i32>} : memref<32784xf32, #tpu.memory_space<vmem>>, vector<16xf32>,
      %parallel_loop3A_121 = vector.shape_cast %parallel_loop3A_120 : vector<16xf32> to vector<16xf32>
      %parallel_loop3A_122 = arith.constant 1 : i32
      %parallel_loop3A_123 = arith.addi %parallel_loop3A_118, %parallel_loop3A_122 : i32
      %parallel_loop3A_124 = arith.index_cast %parallel_loop3A_123 : i32 to index
      %parallel_loop3A_125 = tpu.vector_load %arg4[%parallel_loop3A_124] {strides = array<i32>} : memref<32784xf32, #tpu.memory_space<vmem>>, vector<16xf32>,
      %parallel_loop3A_126 = vector.shape_cast %parallel_loop3A_125 : vector<16xf32> to vector<16xf32>
      %parallel_loop3A_127 = arith.cmpf one, %parallel_loop3A_121, %parallel_loop3A_126 : vector<16xf32>
      %parallel_loop3A_128 = arith.cmpf oeq, %parallel_loop3A_126, %parallel_loop3A_126 : vector<16xf32>
      %parallel_loop3A_129 = arith.andi %parallel_loop3A_110, %parallel_loop3A_128 : vector<16xi1>
      %parallel_loop3A_130 = arith.select %parallel_loop3A_127, %broadcast_in_dim3A_3, %broadcast_in_dim3A_5 : vector<16xi1>, vector<16xi32>
      %parallel_loop3A_131 = arith.addi %parallel_loop3A_112, %parallel_loop3A_130 : vector<16xi32>
      %parallel_loop3A_132 = arith.constant 2 : i32
      %parallel_loop3A_133 = arith.addi %parallel_loop3A_91, %parallel_loop3A_132 : i32
      %parallel_loop3A_134 = arith.constant 16 : i32
      %parallel_loop3A_135 = arith.muli %parallel_loop3A_133, %parallel_loop3A_134 : i32
      %parallel_loop3A_136 = arith.constant 8192 : i32
      %parallel_loop3A_137 = arith.addi %parallel_loop3A_136, %parallel_loop3A_135 : i32
      %parallel_loop3A_138 = arith.index_cast %parallel_loop3A_137 : i32 to index
      %parallel_loop3A_139 = tpu.vector_load %arg4[%parallel_loop3A_138] {strides = array<i32>} : memref<32784xf32, #tpu.memory_space<vmem>>, vector<16xf32>,
      %parallel_loop3A_140 = vector.shape_cast %parallel_loop3A_139 : vector<16xf32> to vector<16xf32>
      %parallel_loop3A_141 = arith.constant 1 : i32
      %parallel_loop3A_142 = arith.addi %parallel_loop3A_137, %parallel_loop3A_141 : i32
      %parallel_loop3A_143 = arith.index_cast %parallel_loop3A_142 : i32 to index
      %parallel_loop3A_144 = tpu.vector_load %arg4[%parallel_loop3A_143] {strides = array<i32>} : memref<32784xf32, #tpu.memory_space<vmem>>, vector<16xf32>,
      %parallel_loop3A_145 = vector.shape_cast %parallel_loop3A_144 : vector<16xf32> to vector<16xf32>
      %parallel_loop3A_146 = arith.cmpf one, %parallel_loop3A_140, %parallel_loop3A_145 : vector<16xf32>
      %parallel_loop3A_147 = arith.cmpf oeq, %parallel_loop3A_145, %parallel_loop3A_145 : vector<16xf32>
      %parallel_loop3A_148 = arith.andi %parallel_loop3A_129, %parallel_loop3A_147 : vector<16xi1>
      %parallel_loop3A_149 = arith.select %parallel_loop3A_146, %broadcast_in_dim3A_3, %broadcast_in_dim3A_5 : vector<16xi1>, vector<16xi32>
      %parallel_loop3A_150 = arith.addi %parallel_loop3A_131, %parallel_loop3A_149 : vector<16xi32>
      %parallel_loop3A_151 = arith.constant 3 : i32
      %parallel_loop3A_152 = arith.addi %parallel_loop3A_91, %parallel_loop3A_151 : i32
      %parallel_loop3A_153 = arith.constant 16 : i32
      %parallel_loop3A_154 = arith.muli %parallel_loop3A_152, %parallel_loop3A_153 : i32
      %parallel_loop3A_155 = arith.constant 8192 : i32
      %parallel_loop3A_156 = arith.addi %parallel_loop3A_155, %parallel_loop3A_154 : i32
      %parallel_loop3A_157 = arith.index_cast %parallel_loop3A_156 : i32 to index
      %parallel_loop3A_158 = tpu.vector_load %arg4[%parallel_loop3A_157] {strides = array<i32>} : memref<32784xf32, #tpu.memory_space<vmem>>, vector<16xf32>,
      %parallel_loop3A_159 = vector.shape_cast %parallel_loop3A_158 : vector<16xf32> to vector<16xf32>
      %parallel_loop3A_160 = arith.constant 1 : i32
      %parallel_loop3A_161 = arith.addi %parallel_loop3A_156, %parallel_loop3A_160 : i32
      %parallel_loop3A_162 = arith.index_cast %parallel_loop3A_161 : i32 to index
      %parallel_loop3A_163 = tpu.vector_load %arg4[%parallel_loop3A_162] {strides = array<i32>} : memref<32784xf32, #tpu.memory_space<vmem>>, vector<16xf32>,
      %parallel_loop3A_164 = vector.shape_cast %parallel_loop3A_163 : vector<16xf32> to vector<16xf32>
      %parallel_loop3A_165 = arith.cmpf one, %parallel_loop3A_159, %parallel_loop3A_164 : vector<16xf32>
      %parallel_loop3A_166 = arith.cmpf oeq, %parallel_loop3A_164, %parallel_loop3A_164 : vector<16xf32>
      %parallel_loop3A_167 = arith.andi %parallel_loop3A_148, %parallel_loop3A_166 : vector<16xi1>
      %parallel_loop3A_168 = arith.select %parallel_loop3A_165, %broadcast_in_dim3A_3, %broadcast_in_dim3A_5 : vector<16xi1>, vector<16xi32>
      %parallel_loop3A_169 = arith.addi %parallel_loop3A_150, %parallel_loop3A_168 : vector<16xi32>
      %parallel_loop3A_170 = arith.constant 4 : i32
      %parallel_loop3A_171 = arith.addi %parallel_loop3A_91, %parallel_loop3A_170 : i32
      %parallel_loop3A_172 = arith.constant 16 : i32
      %parallel_loop3A_173 = arith.muli %parallel_loop3A_171, %parallel_loop3A_172 : i32
      %parallel_loop3A_174 = arith.constant 8192 : i32
      %parallel_loop3A_175 = arith.addi %parallel_loop3A_174, %parallel_loop3A_173 : i32
      %parallel_loop3A_176 = arith.index_cast %parallel_loop3A_175 : i32 to index
      %parallel_loop3A_177 = tpu.vector_load %arg4[%parallel_loop3A_176] {strides = array<i32>} : memref<32784xf32, #tpu.memory_space<vmem>>, vector<16xf32>,
      %parallel_loop3A_178 = vector.shape_cast %parallel_loop3A_177 : vector<16xf32> to vector<16xf32>
      %parallel_loop3A_179 = arith.constant 1 : i32
      %parallel_loop3A_180 = arith.addi %parallel_loop3A_175, %parallel_loop3A_179 : i32
      %parallel_loop3A_181 = arith.index_cast %parallel_loop3A_180 : i32 to index
      %parallel_loop3A_182 = tpu.vector_load %arg4[%parallel_loop3A_181] {strides = array<i32>} : memref<32784xf32, #tpu.memory_space<vmem>>, vector<16xf32>,
      %parallel_loop3A_183 = vector.shape_cast %parallel_loop3A_182 : vector<16xf32> to vector<16xf32>
      %parallel_loop3A_184 = arith.cmpf one, %parallel_loop3A_178, %parallel_loop3A_183 : vector<16xf32>
      %parallel_loop3A_185 = arith.cmpf oeq, %parallel_loop3A_183, %parallel_loop3A_183 : vector<16xf32>
      %parallel_loop3A_186 = arith.andi %parallel_loop3A_167, %parallel_loop3A_185 : vector<16xi1>
      %parallel_loop3A_187 = arith.select %parallel_loop3A_184, %broadcast_in_dim3A_3, %broadcast_in_dim3A_5 : vector<16xi1>, vector<16xi32>
      %parallel_loop3A_188 = arith.addi %parallel_loop3A_169, %parallel_loop3A_187 : vector<16xi32>
      %parallel_loop3A_189 = arith.constant 5 : i32
      %parallel_loop3A_190 = arith.addi %parallel_loop3A_91, %parallel_loop3A_189 : i32
      %parallel_loop3A_191 = arith.constant 16 : i32
      %parallel_loop3A_192 = arith.muli %parallel_loop3A_190, %parallel_loop3A_191 : i32
      %parallel_loop3A_193 = arith.constant 8192 : i32
      %parallel_loop3A_194 = arith.addi %parallel_loop3A_193, %parallel_loop3A_192 : i32
      %parallel_loop3A_195 = arith.index_cast %parallel_loop3A_194 : i32 to index
      %parallel_loop3A_196 = tpu.vector_load %arg4[%parallel_loop3A_195] {strides = array<i32>} : memref<32784xf32, #tpu.memory_space<vmem>>, vector<16xf32>,
      %parallel_loop3A_197 = vector.shape_cast %parallel_loop3A_196 : vector<16xf32> to vector<16xf32>
      %parallel_loop3A_198 = arith.constant 1 : i32
      %parallel_loop3A_199 = arith.addi %parallel_loop3A_194, %parallel_loop3A_198 : i32
      %parallel_loop3A_200 = arith.index_cast %parallel_loop3A_199 : i32 to index
      %parallel_loop3A_201 = tpu.vector_load %arg4[%parallel_loop3A_200] {strides = array<i32>} : memref<32784xf32, #tpu.memory_space<vmem>>, vector<16xf32>,
      %parallel_loop3A_202 = vector.shape_cast %parallel_loop3A_201 : vector<16xf32> to vector<16xf32>
      %parallel_loop3A_203 = arith.cmpf one, %parallel_loop3A_197, %parallel_loop3A_202 : vector<16xf32>
      %parallel_loop3A_204 = arith.cmpf oeq, %parallel_loop3A_202, %parallel_loop3A_202 : vector<16xf32>
      %parallel_loop3A_205 = arith.andi %parallel_loop3A_186, %parallel_loop3A_204 : vector<16xi1>
      %parallel_loop3A_206 = arith.select %parallel_loop3A_203, %broadcast_in_dim3A_3, %broadcast_in_dim3A_5 : vector<16xi1>, vector<16xi32>
      %parallel_loop3A_207 = arith.addi %parallel_loop3A_188, %parallel_loop3A_206 : vector<16xi32>
      %parallel_loop3A_208 = arith.constant 6 : i32
      %parallel_loop3A_209 = arith.addi %parallel_loop3A_91, %parallel_loop3A_208 : i32
      %parallel_loop3A_210 = arith.constant 16 : i32
      %parallel_loop3A_211 = arith.muli %parallel_loop3A_209, %parallel_loop3A_210 : i32
      %parallel_loop3A_212 = arith.constant 8192 : i32
      %parallel_loop3A_213 = arith.addi %parallel_loop3A_212, %parallel_loop3A_211 : i32
      %parallel_loop3A_214 = arith.index_cast %parallel_loop3A_213 : i32 to index
      %parallel_loop3A_215 = tpu.vector_load %arg4[%parallel_loop3A_214] {strides = array<i32>} : memref<32784xf32, #tpu.memory_space<vmem>>, vector<16xf32>,
      %parallel_loop3A_216 = vector.shape_cast %parallel_loop3A_215 : vector<16xf32> to vector<16xf32>
      %parallel_loop3A_217 = arith.constant 1 : i32
      %parallel_loop3A_218 = arith.addi %parallel_loop3A_213, %parallel_loop3A_217 : i32
      %parallel_loop3A_219 = arith.index_cast %parallel_loop3A_218 : i32 to index
      %parallel_loop3A_220 = tpu.vector_load %arg4[%parallel_loop3A_219] {strides = array<i32>} : memref<32784xf32, #tpu.memory_space<vmem>>, vector<16xf32>,
      %parallel_loop3A_221 = vector.shape_cast %parallel_loop3A_220 : vector<16xf32> to vector<16xf32>
      %parallel_loop3A_222 = arith.cmpf one, %parallel_loop3A_216, %parallel_loop3A_221 : vector<16xf32>
      %parallel_loop3A_223 = arith.cmpf oeq, %parallel_loop3A_221, %parallel_loop3A_221 : vector<16xf32>
      %parallel_loop3A_224 = arith.andi %parallel_loop3A_205, %parallel_loop3A_223 : vector<16xi1>
      %parallel_loop3A_225 = arith.select %parallel_loop3A_222, %broadcast_in_dim3A_3, %broadcast_in_dim3A_5 : vector<16xi1>, vector<16xi32>
      %parallel_loop3A_226 = arith.addi %parallel_loop3A_207, %parallel_loop3A_225 : vector<16xi32>
      %parallel_loop3A_227 = arith.constant 7 : i32
      %parallel_loop3A_228 = arith.addi %parallel_loop3A_91, %parallel_loop3A_227 : i32
      %parallel_loop3A_229 = arith.constant 16 : i32
      %parallel_loop3A_230 = arith.muli %parallel_loop3A_228, %parallel_loop3A_229 : i32
      %parallel_loop3A_231 = arith.constant 8192 : i32
      %parallel_loop3A_232 = arith.addi %parallel_loop3A_231, %parallel_loop3A_230 : i32
      %parallel_loop3A_233 = arith.index_cast %parallel_loop3A_232 : i32 to index
      %parallel_loop3A_234 = tpu.vector_load %arg4[%parallel_loop3A_233] {strides = array<i32>} : memref<32784xf32, #tpu.memory_space<vmem>>, vector<16xf32>,
      %parallel_loop3A_235 = vector.shape_cast %parallel_loop3A_234 : vector<16xf32> to vector<16xf32>
      %parallel_loop3A_236 = arith.constant 1 : i32
      %parallel_loop3A_237 = arith.addi %parallel_loop3A_232, %parallel_loop3A_236 : i32
      %parallel_loop3A_238 = arith.index_cast %parallel_loop3A_237 : i32 to index
      %parallel_loop3A_239 = tpu.vector_load %arg4[%parallel_loop3A_238] {strides = array<i32>} : memref<32784xf32, #tpu.memory_space<vmem>>, vector<16xf32>,
      %parallel_loop3A_240 = vector.shape_cast %parallel_loop3A_239 : vector<16xf32> to vector<16xf32>
      %parallel_loop3A_241 = arith.cmpf one, %parallel_loop3A_235, %parallel_loop3A_240 : vector<16xf32>
      %parallel_loop3A_242 = arith.cmpf oeq, %parallel_loop3A_240, %parallel_loop3A_240 : vector<16xf32>
      %parallel_loop3A_243 = arith.andi %parallel_loop3A_224, %parallel_loop3A_242 : vector<16xi1>
      %parallel_loop3A_244 = arith.select %parallel_loop3A_241, %broadcast_in_dim3A_3, %broadcast_in_dim3A_5 : vector<16xi1>, vector<16xi32>
      %parallel_loop3A_245 = arith.addi %parallel_loop3A_226, %parallel_loop3A_244 : vector<16xi32>
      scf.yield %parallel_loop3A_243, %parallel_loop3A_245 : vector<16xi1>, vector<16xi32>
    } {sc.loop_unroll_factor = 2 : i64, sc.parallel_access}
    %add3A_60 = arith.constant 16384 : i32
    %add3A_61 = arith.addi %mul3A_2, %add3A_60 : i32
    %dma_wait3A_62 = arith.constant 16384 : i32
    %dma_wait3A_63 = tpu.memref_slice %arg4[%dma_wait3A_62] : memref<32784xf32, #tpu.memory_space<vmem>> -> memref<8200xf32, #tpu.memory_space<vmem>>
    %dma_wait3A_64 = tpu.memref_slice %arg2[%add3A_61] : memref<1048576xf32, #tpu.memory_space<hbm>> -> memref<8200xf32, #tpu.memory_space<hbm>>
    %dma_wait3A_65 = arith.constant 16384 : i32
    %dma_wait3A_66 = tpu.memref_slice %arg4[%dma_wait3A_65] : memref<32784xf32, #tpu.memory_space<vmem>> -> memref<8200xf32, #tpu.memory_space<vmem>>
    %dma_wait3A_67 = tpu.memref_slice %arg2[%add3A_61] : memref<1048576xf32, #tpu.memory_space<hbm>> -> memref<8200xf32, #tpu.memory_space<hbm>>
    tpu.wait_dma2 semaphore(%arg8 : memref<!tpu.dma_semaphore, #tpu.memory_space<semaphore_mem>>) src(%dma_wait3A_67 : memref<8200xf32, #tpu.memory_space<hbm>>) dst(%dma_wait3A_66 : memref<8200xf32, #tpu.memory_space<vmem>>)
    %parallel_loop3A_68 = arith.constant 0 : i32
    %parallel_loop3A_69 = arith.constant 512 : i32
    %parallel_loop3A_70 = arith.constant 8 : i32
    %parallel_loop3A_71:2 = scf.for %parallel_loop3A_91 = %parallel_loop3A_68 to %parallel_loop3A_69 step %parallel_loop3A_70 iter_args(%parallel_loop3A_92 = %parallel_loop3A_59#0, %parallel_loop3A_93 = %parallel_loop3A_59#1) -> (vector<16xi1>, vector<16xi32>)  : i32 {
      %parallel_loop3A_94 = arith.constant 0 : i32
      %parallel_loop3A_95 = arith.addi %parallel_loop3A_91, %parallel_loop3A_94 : i32
      %parallel_loop3A_96 = arith.constant 16 : i32
      %parallel_loop3A_97 = arith.muli %parallel_loop3A_95, %parallel_loop3A_96 : i32
      %parallel_loop3A_98 = arith.constant 16384 : i32
      %parallel_loop3A_99 = arith.addi %parallel_loop3A_98, %parallel_loop3A_97 : i32
      %parallel_loop3A_100 = arith.index_cast %parallel_loop3A_99 : i32 to index
      %parallel_loop3A_101 = tpu.vector_load %arg4[%parallel_loop3A_100] {strides = array<i32>} : memref<32784xf32, #tpu.memory_space<vmem>>, vector<16xf32>,
      %parallel_loop3A_102 = vector.shape_cast %parallel_loop3A_101 : vector<16xf32> to vector<16xf32>
      %parallel_loop3A_103 = arith.constant 1 : i32
      %parallel_loop3A_104 = arith.addi %parallel_loop3A_99, %parallel_loop3A_103 : i32
      %parallel_loop3A_105 = arith.index_cast %parallel_loop3A_104 : i32 to index
      %parallel_loop3A_106 = tpu.vector_load %arg4[%parallel_loop3A_105] {strides = array<i32>} : memref<32784xf32, #tpu.memory_space<vmem>>, vector<16xf32>,
      %parallel_loop3A_107 = vector.shape_cast %parallel_loop3A_106 : vector<16xf32> to vector<16xf32>
      %parallel_loop3A_108 = arith.cmpf one, %parallel_loop3A_102, %parallel_loop3A_107 : vector<16xf32>
      %parallel_loop3A_109 = arith.cmpf oeq, %parallel_loop3A_107, %parallel_loop3A_107 : vector<16xf32>
      %parallel_loop3A_110 = arith.andi %parallel_loop3A_92, %parallel_loop3A_109 : vector<16xi1>
      %parallel_loop3A_111 = arith.select %parallel_loop3A_108, %broadcast_in_dim3A_3, %broadcast_in_dim3A_5 : vector<16xi1>, vector<16xi32>
      %parallel_loop3A_112 = arith.addi %parallel_loop3A_93, %parallel_loop3A_111 : vector<16xi32>
      %parallel_loop3A_113 = arith.constant 1 : i32
      %parallel_loop3A_114 = arith.addi %parallel_loop3A_91, %parallel_loop3A_113 : i32
      %parallel_loop3A_115 = arith.constant 16 : i32
      %parallel_loop3A_116 = arith.muli %parallel_loop3A_114, %parallel_loop3A_115 : i32
      %parallel_loop3A_117 = arith.constant 16384 : i32
      %parallel_loop3A_118 = arith.addi %parallel_loop3A_117, %parallel_loop3A_116 : i32
      %parallel_loop3A_119 = arith.index_cast %parallel_loop3A_118 : i32 to index
      %parallel_loop3A_120 = tpu.vector_load %arg4[%parallel_loop3A_119] {strides = array<i32>} : memref<32784xf32, #tpu.memory_space<vmem>>, vector<16xf32>,
      %parallel_loop3A_121 = vector.shape_cast %parallel_loop3A_120 : vector<16xf32> to vector<16xf32>
      %parallel_loop3A_122 = arith.constant 1 : i32
      %parallel_loop3A_123 = arith.addi %parallel_loop3A_118, %parallel_loop3A_122 : i32
      %parallel_loop3A_124 = arith.index_cast %parallel_loop3A_123 : i32 to index
      %parallel_loop3A_125 = tpu.vector_load %arg4[%parallel_loop3A_124] {strides = array<i32>} : memref<32784xf32, #tpu.memory_space<vmem>>, vector<16xf32>,
      %parallel_loop3A_126 = vector.shape_cast %parallel_loop3A_125 : vector<16xf32> to vector<16xf32>
      %parallel_loop3A_127 = arith.cmpf one, %parallel_loop3A_121, %parallel_loop3A_126 : vector<16xf32>
      %parallel_loop3A_128 = arith.cmpf oeq, %parallel_loop3A_126, %parallel_loop3A_126 : vector<16xf32>
      %parallel_loop3A_129 = arith.andi %parallel_loop3A_110, %parallel_loop3A_128 : vector<16xi1>
      %parallel_loop3A_130 = arith.select %parallel_loop3A_127, %broadcast_in_dim3A_3, %broadcast_in_dim3A_5 : vector<16xi1>, vector<16xi32>
      %parallel_loop3A_131 = arith.addi %parallel_loop3A_112, %parallel_loop3A_130 : vector<16xi32>
      %parallel_loop3A_132 = arith.constant 2 : i32
      %parallel_loop3A_133 = arith.addi %parallel_loop3A_91, %parallel_loop3A_132 : i32
      %parallel_loop3A_134 = arith.constant 16 : i32
      %parallel_loop3A_135 = arith.muli %parallel_loop3A_133, %parallel_loop3A_134 : i32
      %parallel_loop3A_136 = arith.constant 16384 : i32
      %parallel_loop3A_137 = arith.addi %parallel_loop3A_136, %parallel_loop3A_135 : i32
      %parallel_loop3A_138 = arith.index_cast %parallel_loop3A_137 : i32 to index
      %parallel_loop3A_139 = tpu.vector_load %arg4[%parallel_loop3A_138] {strides = array<i32>} : memref<32784xf32, #tpu.memory_space<vmem>>, vector<16xf32>,
      %parallel_loop3A_140 = vector.shape_cast %parallel_loop3A_139 : vector<16xf32> to vector<16xf32>
      %parallel_loop3A_141 = arith.constant 1 : i32
      %parallel_loop3A_142 = arith.addi %parallel_loop3A_137, %parallel_loop3A_141 : i32
      %parallel_loop3A_143 = arith.index_cast %parallel_loop3A_142 : i32 to index
      %parallel_loop3A_144 = tpu.vector_load %arg4[%parallel_loop3A_143] {strides = array<i32>} : memref<32784xf32, #tpu.memory_space<vmem>>, vector<16xf32>,
      %parallel_loop3A_145 = vector.shape_cast %parallel_loop3A_144 : vector<16xf32> to vector<16xf32>
      %parallel_loop3A_146 = arith.cmpf one, %parallel_loop3A_140, %parallel_loop3A_145 : vector<16xf32>
      %parallel_loop3A_147 = arith.cmpf oeq, %parallel_loop3A_145, %parallel_loop3A_145 : vector<16xf32>
      %parallel_loop3A_148 = arith.andi %parallel_loop3A_129, %parallel_loop3A_147 : vector<16xi1>
      %parallel_loop3A_149 = arith.select %parallel_loop3A_146, %broadcast_in_dim3A_3, %broadcast_in_dim3A_5 : vector<16xi1>, vector<16xi32>
      %parallel_loop3A_150 = arith.addi %parallel_loop3A_131, %parallel_loop3A_149 : vector<16xi32>
      %parallel_loop3A_151 = arith.constant 3 : i32
      %parallel_loop3A_152 = arith.addi %parallel_loop3A_91, %parallel_loop3A_151 : i32
      %parallel_loop3A_153 = arith.constant 16 : i32
      %parallel_loop3A_154 = arith.muli %parallel_loop3A_152, %parallel_loop3A_153 : i32
      %parallel_loop3A_155 = arith.constant 16384 : i32
      %parallel_loop3A_156 = arith.addi %parallel_loop3A_155, %parallel_loop3A_154 : i32
      %parallel_loop3A_157 = arith.index_cast %parallel_loop3A_156 : i32 to index
      %parallel_loop3A_158 = tpu.vector_load %arg4[%parallel_loop3A_157] {strides = array<i32>} : memref<32784xf32, #tpu.memory_space<vmem>>, vector<16xf32>,
      %parallel_loop3A_159 = vector.shape_cast %parallel_loop3A_158 : vector<16xf32> to vector<16xf32>
      %parallel_loop3A_160 = arith.constant 1 : i32
      %parallel_loop3A_161 = arith.addi %parallel_loop3A_156, %parallel_loop3A_160 : i32
      %parallel_loop3A_162 = arith.index_cast %parallel_loop3A_161 : i32 to index
      %parallel_loop3A_163 = tpu.vector_load %arg4[%parallel_loop3A_162] {strides = array<i32>} : memref<32784xf32, #tpu.memory_space<vmem>>, vector<16xf32>,
      %parallel_loop3A_164 = vector.shape_cast %parallel_loop3A_163 : vector<16xf32> to vector<16xf32>
      %parallel_loop3A_165 = arith.cmpf one, %parallel_loop3A_159, %parallel_loop3A_164 : vector<16xf32>
      %parallel_loop3A_166 = arith.cmpf oeq, %parallel_loop3A_164, %parallel_loop3A_164 : vector<16xf32>
      %parallel_loop3A_167 = arith.andi %parallel_loop3A_148, %parallel_loop3A_166 : vector<16xi1>
      %parallel_loop3A_168 = arith.select %parallel_loop3A_165, %broadcast_in_dim3A_3, %broadcast_in_dim3A_5 : vector<16xi1>, vector<16xi32>
      %parallel_loop3A_169 = arith.addi %parallel_loop3A_150, %parallel_loop3A_168 : vector<16xi32>
      %parallel_loop3A_170 = arith.constant 4 : i32
      %parallel_loop3A_171 = arith.addi %parallel_loop3A_91, %parallel_loop3A_170 : i32
      %parallel_loop3A_172 = arith.constant 16 : i32
      %parallel_loop3A_173 = arith.muli %parallel_loop3A_171, %parallel_loop3A_172 : i32
      %parallel_loop3A_174 = arith.constant 16384 : i32
      %parallel_loop3A_175 = arith.addi %parallel_loop3A_174, %parallel_loop3A_173 : i32
      %parallel_loop3A_176 = arith.index_cast %parallel_loop3A_175 : i32 to index
      %parallel_loop3A_177 = tpu.vector_load %arg4[%parallel_loop3A_176] {strides = array<i32>} : memref<32784xf32, #tpu.memory_space<vmem>>, vector<16xf32>,
      %parallel_loop3A_178 = vector.shape_cast %parallel_loop3A_177 : vector<16xf32> to vector<16xf32>
      %parallel_loop3A_179 = arith.constant 1 : i32
      %parallel_loop3A_180 = arith.addi %parallel_loop3A_175, %parallel_loop3A_179 : i32
      %parallel_loop3A_181 = arith.index_cast %parallel_loop3A_180 : i32 to index
      %parallel_loop3A_182 = tpu.vector_load %arg4[%parallel_loop3A_181] {strides = array<i32>} : memref<32784xf32, #tpu.memory_space<vmem>>, vector<16xf32>,
      %parallel_loop3A_183 = vector.shape_cast %parallel_loop3A_182 : vector<16xf32> to vector<16xf32>
      %parallel_loop3A_184 = arith.cmpf one, %parallel_loop3A_178, %parallel_loop3A_183 : vector<16xf32>
      %parallel_loop3A_185 = arith.cmpf oeq, %parallel_loop3A_183, %parallel_loop3A_183 : vector<16xf32>
      %parallel_loop3A_186 = arith.andi %parallel_loop3A_167, %parallel_loop3A_185 : vector<16xi1>
      %parallel_loop3A_187 = arith.select %parallel_loop3A_184, %broadcast_in_dim3A_3, %broadcast_in_dim3A_5 : vector<16xi1>, vector<16xi32>
      %parallel_loop3A_188 = arith.addi %parallel_loop3A_169, %parallel_loop3A_187 : vector<16xi32>
      %parallel_loop3A_189 = arith.constant 5 : i32
      %parallel_loop3A_190 = arith.addi %parallel_loop3A_91, %parallel_loop3A_189 : i32
      %parallel_loop3A_191 = arith.constant 16 : i32
      %parallel_loop3A_192 = arith.muli %parallel_loop3A_190, %parallel_loop3A_191 : i32
      %parallel_loop3A_193 = arith.constant 16384 : i32
      %parallel_loop3A_194 = arith.addi %parallel_loop3A_193, %parallel_loop3A_192 : i32
      %parallel_loop3A_195 = arith.index_cast %parallel_loop3A_194 : i32 to index
      %parallel_loop3A_196 = tpu.vector_load %arg4[%parallel_loop3A_195] {strides = array<i32>} : memref<32784xf32, #tpu.memory_space<vmem>>, vector<16xf32>,
      %parallel_loop3A_197 = vector.shape_cast %parallel_loop3A_196 : vector<16xf32> to vector<16xf32>
      %parallel_loop3A_198 = arith.constant 1 : i32
      %parallel_loop3A_199 = arith.addi %parallel_loop3A_194, %parallel_loop3A_198 : i32
      %parallel_loop3A_200 = arith.index_cast %parallel_loop3A_199 : i32 to index
      %parallel_loop3A_201 = tpu.vector_load %arg4[%parallel_loop3A_200] {strides = array<i32>} : memref<32784xf32, #tpu.memory_space<vmem>>, vector<16xf32>,
      %parallel_loop3A_202 = vector.shape_cast %parallel_loop3A_201 : vector<16xf32> to vector<16xf32>
      %parallel_loop3A_203 = arith.cmpf one, %parallel_loop3A_197, %parallel_loop3A_202 : vector<16xf32>
      %parallel_loop3A_204 = arith.cmpf oeq, %parallel_loop3A_202, %parallel_loop3A_202 : vector<16xf32>
      %parallel_loop3A_205 = arith.andi %parallel_loop3A_186, %parallel_loop3A_204 : vector<16xi1>
      %parallel_loop3A_206 = arith.select %parallel_loop3A_203, %broadcast_in_dim3A_3, %broadcast_in_dim3A_5 : vector<16xi1>, vector<16xi32>
      %parallel_loop3A_207 = arith.addi %parallel_loop3A_188, %parallel_loop3A_206 : vector<16xi32>
      %parallel_loop3A_208 = arith.constant 6 : i32
      %parallel_loop3A_209 = arith.addi %parallel_loop3A_91, %parallel_loop3A_208 : i32
      %parallel_loop3A_210 = arith.constant 16 : i32
      %parallel_loop3A_211 = arith.muli %parallel_loop3A_209, %parallel_loop3A_210 : i32
      %parallel_loop3A_212 = arith.constant 16384 : i32
      %parallel_loop3A_213 = arith.addi %parallel_loop3A_212, %parallel_loop3A_211 : i32
      %parallel_loop3A_214 = arith.index_cast %parallel_loop3A_213 : i32 to index
      %parallel_loop3A_215 = tpu.vector_load %arg4[%parallel_loop3A_214] {strides = array<i32>} : memref<32784xf32, #tpu.memory_space<vmem>>, vector<16xf32>,
      %parallel_loop3A_216 = vector.shape_cast %parallel_loop3A_215 : vector<16xf32> to vector<16xf32>
      %parallel_loop3A_217 = arith.constant 1 : i32
      %parallel_loop3A_218 = arith.addi %parallel_loop3A_213, %parallel_loop3A_217 : i32
      %parallel_loop3A_219 = arith.index_cast %parallel_loop3A_218 : i32 to index
      %parallel_loop3A_220 = tpu.vector_load %arg4[%parallel_loop3A_219] {strides = array<i32>} : memref<32784xf32, #tpu.memory_space<vmem>>, vector<16xf32>,
      %parallel_loop3A_221 = vector.shape_cast %parallel_loop3A_220 : vector<16xf32> to vector<16xf32>
      %parallel_loop3A_222 = arith.cmpf one, %parallel_loop3A_216, %parallel_loop3A_221 : vector<16xf32>
      %parallel_loop3A_223 = arith.cmpf oeq, %parallel_loop3A_221, %parallel_loop3A_221 : vector<16xf32>
      %parallel_loop3A_224 = arith.andi %parallel_loop3A_205, %parallel_loop3A_223 : vector<16xi1>
      %parallel_loop3A_225 = arith.select %parallel_loop3A_222, %broadcast_in_dim3A_3, %broadcast_in_dim3A_5 : vector<16xi1>, vector<16xi32>
      %parallel_loop3A_226 = arith.addi %parallel_loop3A_207, %parallel_loop3A_225 : vector<16xi32>
      %parallel_loop3A_227 = arith.constant 7 : i32
      %parallel_loop3A_228 = arith.addi %parallel_loop3A_91, %parallel_loop3A_227 : i32
      %parallel_loop3A_229 = arith.constant 16 : i32
      %parallel_loop3A_230 = arith.muli %parallel_loop3A_228, %parallel_loop3A_229 : i32
      %parallel_loop3A_231 = arith.constant 16384 : i32
      %parallel_loop3A_232 = arith.addi %parallel_loop3A_231, %parallel_loop3A_230 : i32
      %parallel_loop3A_233 = arith.index_cast %parallel_loop3A_232 : i32 to index
      %parallel_loop3A_234 = tpu.vector_load %arg4[%parallel_loop3A_233] {strides = array<i32>} : memref<32784xf32, #tpu.memory_space<vmem>>, vector<16xf32>,
      %parallel_loop3A_235 = vector.shape_cast %parallel_loop3A_234 : vector<16xf32> to vector<16xf32>
      %parallel_loop3A_236 = arith.constant 1 : i32
      %parallel_loop3A_237 = arith.addi %parallel_loop3A_232, %parallel_loop3A_236 : i32
      %parallel_loop3A_238 = arith.index_cast %parallel_loop3A_237 : i32 to index
      %parallel_loop3A_239 = tpu.vector_load %arg4[%parallel_loop3A_238] {strides = array<i32>} : memref<32784xf32, #tpu.memory_space<vmem>>, vector<16xf32>,
      %parallel_loop3A_240 = vector.shape_cast %parallel_loop3A_239 : vector<16xf32> to vector<16xf32>
      %parallel_loop3A_241 = arith.cmpf one, %parallel_loop3A_235, %parallel_loop3A_240 : vector<16xf32>
      %parallel_loop3A_242 = arith.cmpf oeq, %parallel_loop3A_240, %parallel_loop3A_240 : vector<16xf32>
      %parallel_loop3A_243 = arith.andi %parallel_loop3A_224, %parallel_loop3A_242 : vector<16xi1>
      %parallel_loop3A_244 = arith.select %parallel_loop3A_241, %broadcast_in_dim3A_3, %broadcast_in_dim3A_5 : vector<16xi1>, vector<16xi32>
      %parallel_loop3A_245 = arith.addi %parallel_loop3A_226, %parallel_loop3A_244 : vector<16xi32>
      scf.yield %parallel_loop3A_243, %parallel_loop3A_245 : vector<16xi1>, vector<16xi32>
    } {sc.loop_unroll_factor = 2 : i64, sc.parallel_access}
    %lt3A_72 = arith.constant 31 : i32
    %lt3A_73 = arith.cmpi slt, %add3A, %lt3A_72 : i32
    %convert_element_type3A_74 = arith.extui %lt3A_73 : i1 to i32
    %cond3A_75 = arith.constant 0 : i32
    %cond3A_76 = arith.cmpi ne, %convert_element_type3A_74, %cond3A_75 : i32
    scf.if %cond3A_76 {
      %add3A_91 = arith.constant 24576 : i32
      %add3A_92 = arith.addi %mul3A_2, %add3A_91 : i32
      %dma_wait3A_93 = arith.constant 24576 : i32
      %dma_wait3A_94 = tpu.memref_slice %arg4[%dma_wait3A_93] : memref<32784xf32, #tpu.memory_space<vmem>> -> memref<8200xf32, #tpu.memory_space<vmem>>
      %dma_wait3A_95 = tpu.memref_slice %arg2[%add3A_92] : memref<1048576xf32, #tpu.memory_space<hbm>> -> memref<8200xf32, #tpu.memory_space<hbm>>
      %dma_wait3A_96 = arith.constant 24576 : i32
      %dma_wait3A_97 = tpu.memref_slice %arg4[%dma_wait3A_96] : memref<32784xf32, #tpu.memory_space<vmem>> -> memref<8200xf32, #tpu.memory_space<vmem>>
      %dma_wait3A_98 = tpu.memref_slice %arg2[%add3A_92] : memref<1048576xf32, #tpu.memory_space<hbm>> -> memref<8200xf32, #tpu.memory_space<hbm>>
      tpu.wait_dma2 semaphore(%arg9 : memref<!tpu.dma_semaphore, #tpu.memory_space<semaphore_mem>>) src(%dma_wait3A_98 : memref<8200xf32, #tpu.memory_space<hbm>>) dst(%dma_wait3A_97 : memref<8200xf32, #tpu.memory_space<vmem>>)
    } else {
    }
    %eq3A_77 = arith.constant 31 : i32
    %eq3A_78 = arith.cmpi eq, %add3A, %eq3A_77 : i32
    %convert_element_type3A_79 = arith.extui %eq3A_78 : i1 to i32
    %cond3A_80 = arith.constant 0 : i32
    %cond3A_81 = arith.cmpi ne, %convert_element_type3A_79, %cond3A_80 : i32
    scf.if %cond3A_81 {
      %add3A_91 = arith.constant 24576 : i32
      %add3A_92 = arith.addi %mul3A_2, %add3A_91 : i32
      %dma_wait3A_93 = arith.constant 24576 : i32
      %dma_wait3A_94 = tpu.memref_slice %arg4[%dma_wait3A_93] : memref<32784xf32, #tpu.memory_space<vmem>> -> memref<8192xf32, #tpu.memory_space<vmem>>
      %dma_wait3A_95 = tpu.memref_slice %arg2[%add3A_92] : memref<1048576xf32, #tpu.memory_space<hbm>> -> memref<8192xf32, #tpu.memory_space<hbm>>
      %dma_wait3A_96 = arith.constant 24576 : i32
      %dma_wait3A_97 = tpu.memref_slice %arg4[%dma_wait3A_96] : memref<32784xf32, #tpu.memory_space<vmem>> -> memref<8192xf32, #tpu.memory_space<vmem>>
      %dma_wait3A_98 = tpu.memref_slice %arg2[%add3A_92] : memref<1048576xf32, #tpu.memory_space<hbm>> -> memref<8192xf32, #tpu.memory_space<hbm>>
      tpu.wait_dma2 semaphore(%arg9 : memref<!tpu.dma_semaphore, #tpu.memory_space<semaphore_mem>>) src(%dma_wait3A_98 : memref<8192xf32, #tpu.memory_space<hbm>>) dst(%dma_wait3A_97 : memref<8192xf32, #tpu.memory_space<vmem>>)
      %get3A_99 = arith.constant 32767 : index
      %get3A_100 = tpu.vector_load %arg4[%get3A_99] {strides = array<i32>} : memref<32784xf32, #tpu.memory_space<vmem>>, vector<16xf32>,
      %get3A_101 = vector.shape_cast %get3A_100 : vector<16xf32> to vector<16xf32>
      %swap3A_102 = arith.constant 32768 : index
      %swap3A_103 = tpu.vector_load %arg4[%swap3A_102] {strides = array<i32>} : memref<32784xf32, #tpu.memory_space<vmem>>, vector<16xf32>,
      %swap3A_104 = vector.shape_cast %swap3A_103 : vector<16xf32> to vector<16xf32>
      %swap3A_105 = vector.shape_cast %get3A_101 : vector<16xf32> to vector<16xf32>
      tpu.vector_store %arg4[%swap3A_102], %swap3A_105 {strides = array<i32>} : memref<32784xf32, #tpu.memory_space<vmem>>, vector<16xf32>,
    } else {
    }
    %parallel_loop3A_82 = arith.constant 0 : i32
    %parallel_loop3A_83 = arith.constant 512 : i32
    %parallel_loop3A_84 = arith.constant 8 : i32
    %parallel_loop3A_85:2 = scf.for %parallel_loop3A_91 = %parallel_loop3A_82 to %parallel_loop3A_83 step %parallel_loop3A_84 iter_args(%parallel_loop3A_92 = %parallel_loop3A_71#0, %parallel_loop3A_93 = %parallel_loop3A_71#1) -> (vector<16xi1>, vector<16xi32>)  : i32 {
      %parallel_loop3A_94 = arith.constant 0 : i32
      %parallel_loop3A_95 = arith.addi %parallel_loop3A_91, %parallel_loop3A_94 : i32
      %parallel_loop3A_96 = arith.constant 16 : i32
      %parallel_loop3A_97 = arith.muli %parallel_loop3A_95, %parallel_loop3A_96 : i32
      %parallel_loop3A_98 = arith.constant 24576 : i32
      %parallel_loop3A_99 = arith.addi %parallel_loop3A_98, %parallel_loop3A_97 : i32
      %parallel_loop3A_100 = arith.index_cast %parallel_loop3A_99 : i32 to index
      %parallel_loop3A_101 = tpu.vector_load %arg4[%parallel_loop3A_100] {strides = array<i32>} : memref<32784xf32, #tpu.memory_space<vmem>>, vector<16xf32>,
      %parallel_loop3A_102 = vector.shape_cast %parallel_loop3A_101 : vector<16xf32> to vector<16xf32>
      %parallel_loop3A_103 = arith.constant 1 : i32
      %parallel_loop3A_104 = arith.addi %parallel_loop3A_99, %parallel_loop3A_103 : i32
      %parallel_loop3A_105 = arith.index_cast %parallel_loop3A_104 : i32 to index
      %parallel_loop3A_106 = tpu.vector_load %arg4[%parallel_loop3A_105] {strides = array<i32>} : memref<32784xf32, #tpu.memory_space<vmem>>, vector<16xf32>,
      %parallel_loop3A_107 = vector.shape_cast %parallel_loop3A_106 : vector<16xf32> to vector<16xf32>
      %parallel_loop3A_108 = arith.cmpf one, %parallel_loop3A_102, %parallel_loop3A_107 : vector<16xf32>
      %parallel_loop3A_109 = arith.cmpf oeq, %parallel_loop3A_107, %parallel_loop3A_107 : vector<16xf32>
      %parallel_loop3A_110 = arith.andi %parallel_loop3A_92, %parallel_loop3A_109 : vector<16xi1>
      %parallel_loop3A_111 = arith.select %parallel_loop3A_108, %broadcast_in_dim3A_3, %broadcast_in_dim3A_5 : vector<16xi1>, vector<16xi32>
      %parallel_loop3A_112 = arith.addi %parallel_loop3A_93, %parallel_loop3A_111 : vector<16xi32>
      %parallel_loop3A_113 = arith.constant 1 : i32
      %parallel_loop3A_114 = arith.addi %parallel_loop3A_91, %parallel_loop3A_113 : i32
      %parallel_loop3A_115 = arith.constant 16 : i32
      %parallel_loop3A_116 = arith.muli %parallel_loop3A_114, %parallel_loop3A_115 : i32
      %parallel_loop3A_117 = arith.constant 24576 : i32
      %parallel_loop3A_118 = arith.addi %parallel_loop3A_117, %parallel_loop3A_116 : i32
      %parallel_loop3A_119 = arith.index_cast %parallel_loop3A_118 : i32 to index
      %parallel_loop3A_120 = tpu.vector_load %arg4[%parallel_loop3A_119] {strides = array<i32>} : memref<32784xf32, #tpu.memory_space<vmem>>, vector<16xf32>,
      %parallel_loop3A_121 = vector.shape_cast %parallel_loop3A_120 : vector<16xf32> to vector<16xf32>
      %parallel_loop3A_122 = arith.constant 1 : i32
      %parallel_loop3A_123 = arith.addi %parallel_loop3A_118, %parallel_loop3A_122 : i32
      %parallel_loop3A_124 = arith.index_cast %parallel_loop3A_123 : i32 to index
      %parallel_loop3A_125 = tpu.vector_load %arg4[%parallel_loop3A_124] {strides = array<i32>} : memref<32784xf32, #tpu.memory_space<vmem>>, vector<16xf32>,
      %parallel_loop3A_126 = vector.shape_cast %parallel_loop3A_125 : vector<16xf32> to vector<16xf32>
      %parallel_loop3A_127 = arith.cmpf one, %parallel_loop3A_121, %parallel_loop3A_126 : vector<16xf32>
      %parallel_loop3A_128 = arith.cmpf oeq, %parallel_loop3A_126, %parallel_loop3A_126 : vector<16xf32>
      %parallel_loop3A_129 = arith.andi %parallel_loop3A_110, %parallel_loop3A_128 : vector<16xi1>
      %parallel_loop3A_130 = arith.select %parallel_loop3A_127, %broadcast_in_dim3A_3, %broadcast_in_dim3A_5 : vector<16xi1>, vector<16xi32>
      %parallel_loop3A_131 = arith.addi %parallel_loop3A_112, %parallel_loop3A_130 : vector<16xi32>
      %parallel_loop3A_132 = arith.constant 2 : i32
      %parallel_loop3A_133 = arith.addi %parallel_loop3A_91, %parallel_loop3A_132 : i32
      %parallel_loop3A_134 = arith.constant 16 : i32
      %parallel_loop3A_135 = arith.muli %parallel_loop3A_133, %parallel_loop3A_134 : i32
      %parallel_loop3A_136 = arith.constant 24576 : i32
      %parallel_loop3A_137 = arith.addi %parallel_loop3A_136, %parallel_loop3A_135 : i32
      %parallel_loop3A_138 = arith.index_cast %parallel_loop3A_137 : i32 to index
      %parallel_loop3A_139 = tpu.vector_load %arg4[%parallel_loop3A_138] {strides = array<i32>} : memref<32784xf32, #tpu.memory_space<vmem>>, vector<16xf32>,
      %parallel_loop3A_140 = vector.shape_cast %parallel_loop3A_139 : vector<16xf32> to vector<16xf32>
      %parallel_loop3A_141 = arith.constant 1 : i32
      %parallel_loop3A_142 = arith.addi %parallel_loop3A_137, %parallel_loop3A_141 : i32
      %parallel_loop3A_143 = arith.index_cast %parallel_loop3A_142 : i32 to index
      %parallel_loop3A_144 = tpu.vector_load %arg4[%parallel_loop3A_143] {strides = array<i32>} : memref<32784xf32, #tpu.memory_space<vmem>>, vector<16xf32>,
      %parallel_loop3A_145 = vector.shape_cast %parallel_loop3A_144 : vector<16xf32> to vector<16xf32>
      %parallel_loop3A_146 = arith.cmpf one, %parallel_loop3A_140, %parallel_loop3A_145 : vector<16xf32>
      %parallel_loop3A_147 = arith.cmpf oeq, %parallel_loop3A_145, %parallel_loop3A_145 : vector<16xf32>
      %parallel_loop3A_148 = arith.andi %parallel_loop3A_129, %parallel_loop3A_147 : vector<16xi1>
      %parallel_loop3A_149 = arith.select %parallel_loop3A_146, %broadcast_in_dim3A_3, %broadcast_in_dim3A_5 : vector<16xi1>, vector<16xi32>
      %parallel_loop3A_150 = arith.addi %parallel_loop3A_131, %parallel_loop3A_149 : vector<16xi32>
      %parallel_loop3A_151 = arith.constant 3 : i32
      %parallel_loop3A_152 = arith.addi %parallel_loop3A_91, %parallel_loop3A_151 : i32
      %parallel_loop3A_153 = arith.constant 16 : i32
      %parallel_loop3A_154 = arith.muli %parallel_loop3A_152, %parallel_loop3A_153 : i32
      %parallel_loop3A_155 = arith.constant 24576 : i32
      %parallel_loop3A_156 = arith.addi %parallel_loop3A_155, %parallel_loop3A_154 : i32
      %parallel_loop3A_157 = arith.index_cast %parallel_loop3A_156 : i32 to index
      %parallel_loop3A_158 = tpu.vector_load %arg4[%parallel_loop3A_157] {strides = array<i32>} : memref<32784xf32, #tpu.memory_space<vmem>>, vector<16xf32>,
      %parallel_loop3A_159 = vector.shape_cast %parallel_loop3A_158 : vector<16xf32> to vector<16xf32>
      %parallel_loop3A_160 = arith.constant 1 : i32
      %parallel_loop3A_161 = arith.addi %parallel_loop3A_156, %parallel_loop3A_160 : i32
      %parallel_loop3A_162 = arith.index_cast %parallel_loop3A_161 : i32 to index
      %parallel_loop3A_163 = tpu.vector_load %arg4[%parallel_loop3A_162] {strides = array<i32>} : memref<32784xf32, #tpu.memory_space<vmem>>, vector<16xf32>,
      %parallel_loop3A_164 = vector.shape_cast %parallel_loop3A_163 : vector<16xf32> to vector<16xf32>
      %parallel_loop3A_165 = arith.cmpf one, %parallel_loop3A_159, %parallel_loop3A_164 : vector<16xf32>
      %parallel_loop3A_166 = arith.cmpf oeq, %parallel_loop3A_164, %parallel_loop3A_164 : vector<16xf32>
      %parallel_loop3A_167 = arith.andi %parallel_loop3A_148, %parallel_loop3A_166 : vector<16xi1>
      %parallel_loop3A_168 = arith.select %parallel_loop3A_165, %broadcast_in_dim3A_3, %broadcast_in_dim3A_5 : vector<16xi1>, vector<16xi32>
      %parallel_loop3A_169 = arith.addi %parallel_loop3A_150, %parallel_loop3A_168 : vector<16xi32>
      %parallel_loop3A_170 = arith.constant 4 : i32
      %parallel_loop3A_171 = arith.addi %parallel_loop3A_91, %parallel_loop3A_170 : i32
      %parallel_loop3A_172 = arith.constant 16 : i32
      %parallel_loop3A_173 = arith.muli %parallel_loop3A_171, %parallel_loop3A_172 : i32
      %parallel_loop3A_174 = arith.constant 24576 : i32
      %parallel_loop3A_175 = arith.addi %parallel_loop3A_174, %parallel_loop3A_173 : i32
      %parallel_loop3A_176 = arith.index_cast %parallel_loop3A_175 : i32 to index
      %parallel_loop3A_177 = tpu.vector_load %arg4[%parallel_loop3A_176] {strides = array<i32>} : memref<32784xf32, #tpu.memory_space<vmem>>, vector<16xf32>,
      %parallel_loop3A_178 = vector.shape_cast %parallel_loop3A_177 : vector<16xf32> to vector<16xf32>
      %parallel_loop3A_179 = arith.constant 1 : i32
      %parallel_loop3A_180 = arith.addi %parallel_loop3A_175, %parallel_loop3A_179 : i32
      %parallel_loop3A_181 = arith.index_cast %parallel_loop3A_180 : i32 to index
      %parallel_loop3A_182 = tpu.vector_load %arg4[%parallel_loop3A_181] {strides = array<i32>} : memref<32784xf32, #tpu.memory_space<vmem>>, vector<16xf32>,
      %parallel_loop3A_183 = vector.shape_cast %parallel_loop3A_182 : vector<16xf32> to vector<16xf32>
      %parallel_loop3A_184 = arith.cmpf one, %parallel_loop3A_178, %parallel_loop3A_183 : vector<16xf32>
      %parallel_loop3A_185 = arith.cmpf oeq, %parallel_loop3A_183, %parallel_loop3A_183 : vector<16xf32>
      %parallel_loop3A_186 = arith.andi %parallel_loop3A_167, %parallel_loop3A_185 : vector<16xi1>
      %parallel_loop3A_187 = arith.select %parallel_loop3A_184, %broadcast_in_dim3A_3, %broadcast_in_dim3A_5 : vector<16xi1>, vector<16xi32>
      %parallel_loop3A_188 = arith.addi %parallel_loop3A_169, %parallel_loop3A_187 : vector<16xi32>
      %parallel_loop3A_189 = arith.constant 5 : i32
      %parallel_loop3A_190 = arith.addi %parallel_loop3A_91, %parallel_loop3A_189 : i32
      %parallel_loop3A_191 = arith.constant 16 : i32
      %parallel_loop3A_192 = arith.muli %parallel_loop3A_190, %parallel_loop3A_191 : i32
      %parallel_loop3A_193 = arith.constant 24576 : i32
      %parallel_loop3A_194 = arith.addi %parallel_loop3A_193, %parallel_loop3A_192 : i32
      %parallel_loop3A_195 = arith.index_cast %parallel_loop3A_194 : i32 to index
      %parallel_loop3A_196 = tpu.vector_load %arg4[%parallel_loop3A_195] {strides = array<i32>} : memref<32784xf32, #tpu.memory_space<vmem>>, vector<16xf32>,
      %parallel_loop3A_197 = vector.shape_cast %parallel_loop3A_196 : vector<16xf32> to vector<16xf32>
      %parallel_loop3A_198 = arith.constant 1 : i32
      %parallel_loop3A_199 = arith.addi %parallel_loop3A_194, %parallel_loop3A_198 : i32
      %parallel_loop3A_200 = arith.index_cast %parallel_loop3A_199 : i32 to index
      %parallel_loop3A_201 = tpu.vector_load %arg4[%parallel_loop3A_200] {strides = array<i32>} : memref<32784xf32, #tpu.memory_space<vmem>>, vector<16xf32>,
      %parallel_loop3A_202 = vector.shape_cast %parallel_loop3A_201 : vector<16xf32> to vector<16xf32>
      %parallel_loop3A_203 = arith.cmpf one, %parallel_loop3A_197, %parallel_loop3A_202 : vector<16xf32>
      %parallel_loop3A_204 = arith.cmpf oeq, %parallel_loop3A_202, %parallel_loop3A_202 : vector<16xf32>
      %parallel_loop3A_205 = arith.andi %parallel_loop3A_186, %parallel_loop3A_204 : vector<16xi1>
      %parallel_loop3A_206 = arith.select %parallel_loop3A_203, %broadcast_in_dim3A_3, %broadcast_in_dim3A_5 : vector<16xi1>, vector<16xi32>
      %parallel_loop3A_207 = arith.addi %parallel_loop3A_188, %parallel_loop3A_206 : vector<16xi32>
      %parallel_loop3A_208 = arith.constant 6 : i32
      %parallel_loop3A_209 = arith.addi %parallel_loop3A_91, %parallel_loop3A_208 : i32
      %parallel_loop3A_210 = arith.constant 16 : i32
      %parallel_loop3A_211 = arith.muli %parallel_loop3A_209, %parallel_loop3A_210 : i32
      %parallel_loop3A_212 = arith.constant 24576 : i32
      %parallel_loop3A_213 = arith.addi %parallel_loop3A_212, %parallel_loop3A_211 : i32
      %parallel_loop3A_214 = arith.index_cast %parallel_loop3A_213 : i32 to index
      %parallel_loop3A_215 = tpu.vector_load %arg4[%parallel_loop3A_214] {strides = array<i32>} : memref<32784xf32, #tpu.memory_space<vmem>>, vector<16xf32>,
      %parallel_loop3A_216 = vector.shape_cast %parallel_loop3A_215 : vector<16xf32> to vector<16xf32>
      %parallel_loop3A_217 = arith.constant 1 : i32
      %parallel_loop3A_218 = arith.addi %parallel_loop3A_213, %parallel_loop3A_217 : i32
      %parallel_loop3A_219 = arith.index_cast %parallel_loop3A_218 : i32 to index
      %parallel_loop3A_220 = tpu.vector_load %arg4[%parallel_loop3A_219] {strides = array<i32>} : memref<32784xf32, #tpu.memory_space<vmem>>, vector<16xf32>,
      %parallel_loop3A_221 = vector.shape_cast %parallel_loop3A_220 : vector<16xf32> to vector<16xf32>
      %parallel_loop3A_222 = arith.cmpf one, %parallel_loop3A_216, %parallel_loop3A_221 : vector<16xf32>
      %parallel_loop3A_223 = arith.cmpf oeq, %parallel_loop3A_221, %parallel_loop3A_221 : vector<16xf32>
      %parallel_loop3A_224 = arith.andi %parallel_loop3A_205, %parallel_loop3A_223 : vector<16xi1>
      %parallel_loop3A_225 = arith.select %parallel_loop3A_222, %broadcast_in_dim3A_3, %broadcast_in_dim3A_5 : vector<16xi1>, vector<16xi32>
      %parallel_loop3A_226 = arith.addi %parallel_loop3A_207, %parallel_loop3A_225 : vector<16xi32>
      %parallel_loop3A_227 = arith.constant 7 : i32
      %parallel_loop3A_228 = arith.addi %parallel_loop3A_91, %parallel_loop3A_227 : i32
      %parallel_loop3A_229 = arith.constant 16 : i32
      %parallel_loop3A_230 = arith.muli %parallel_loop3A_228, %parallel_loop3A_229 : i32
      %parallel_loop3A_231 = arith.constant 24576 : i32
      %parallel_loop3A_232 = arith.addi %parallel_loop3A_231, %parallel_loop3A_230 : i32
      %parallel_loop3A_233 = arith.index_cast %parallel_loop3A_232 : i32 to index
      %parallel_loop3A_234 = tpu.vector_load %arg4[%parallel_loop3A_233] {strides = array<i32>} : memref<32784xf32, #tpu.memory_space<vmem>>, vector<16xf32>,
      %parallel_loop3A_235 = vector.shape_cast %parallel_loop3A_234 : vector<16xf32> to vector<16xf32>
      %parallel_loop3A_236 = arith.constant 1 : i32
      %parallel_loop3A_237 = arith.addi %parallel_loop3A_232, %parallel_loop3A_236 : i32
      %parallel_loop3A_238 = arith.index_cast %parallel_loop3A_237 : i32 to index
      %parallel_loop3A_239 = tpu.vector_load %arg4[%parallel_loop3A_238] {strides = array<i32>} : memref<32784xf32, #tpu.memory_space<vmem>>, vector<16xf32>,
      %parallel_loop3A_240 = vector.shape_cast %parallel_loop3A_239 : vector<16xf32> to vector<16xf32>
      %parallel_loop3A_241 = arith.cmpf one, %parallel_loop3A_235, %parallel_loop3A_240 : vector<16xf32>
      %parallel_loop3A_242 = arith.cmpf oeq, %parallel_loop3A_240, %parallel_loop3A_240 : vector<16xf32>
      %parallel_loop3A_243 = arith.andi %parallel_loop3A_224, %parallel_loop3A_242 : vector<16xi1>
      %parallel_loop3A_244 = arith.select %parallel_loop3A_241, %broadcast_in_dim3A_3, %broadcast_in_dim3A_5 : vector<16xi1>, vector<16xi32>
      %parallel_loop3A_245 = arith.addi %parallel_loop3A_226, %parallel_loop3A_244 : vector<16xi32>
      scf.yield %parallel_loop3A_243, %parallel_loop3A_245 : vector<16xi1>, vector<16xi32>
    } {sc.loop_unroll_factor = 2 : i64, sc.parallel_access}
    %select_n3A = arith.select %parallel_loop3A_85#0, %broadcast_in_dim3A_3, %broadcast_in_dim3A_5 : vector<16xi1>, vector<16xi32>
    %eq3A_86 = arith.cmpi eq, %parallel_loop3A_85#1, %parallel_loop3A_85#1 : vector<16xi32>
    %select_n3A_87 = arith.select %eq3A_86, %broadcast_in_dim3A_3, %broadcast_in_dim3A_5 : vector<16xi1>, vector<16xi32>
    %min3A = arith.minsi %select_n3A, %select_n3A_87 : vector<16xi32>
    %swap3A = arith.constant 0 : index
    %swap3A_88 = tpu.vector_load %arg5[%swap3A] {strides = array<i32>} : memref<16xi32, #tpu.memory_space<vmem>>, vector<16xi32>,
    %swap3A_89 = vector.shape_cast %swap3A_88 : vector<16xi32> to vector<16xi32>
    %swap3A_90 = vector.shape_cast %min3A : vector<16xi32> to vector<16xi32>
    tpu.vector_store %arg5[%swap3A], %swap3A_90 {strides = array<i32>} : memref<16xi32, #tpu.memory_space<vmem>>, vector<16xi32>,
    "tpu.region"() ({
      %run_scoped3A = tpu.sem_alloc : memref<!tpu.dma_semaphore, #tpu.memory_space<semaphore_mem>>
      %dma_start3A_91 = arith.constant 0 : i32
      %dma_start3A_92 = tpu.memref_slice %arg3[%add3A, %dma_start3A_91] : memref<32x16xi32, #tpu.memory_space<hbm>> -> memref<1x16xi32, #tpu.memory_space<hbm>>
      %dma_start3A_93 = tpu.memref_squeeze %dma_start3A_92 : memref<1x16xi32, #tpu.memory_space<hbm>> -> memref<16xi32, #tpu.memory_space<hbm>>
      %dma_start3A_94 = arith.constant 0 : i32
      %dma_start3A_95 = tpu.memref_slice %arg3[%add3A, %dma_start3A_94] : memref<32x16xi32, #tpu.memory_space<hbm>> -> memref<1x16xi32, #tpu.memory_space<hbm>>
      %dma_start3A_96 = tpu.memref_squeeze %dma_start3A_95 : memref<1x16xi32, #tpu.memory_space<hbm>> -> memref<16xi32, #tpu.memory_space<hbm>>
      tpu.enqueue_dma source(%arg5 : memref<16xi32, #tpu.memory_space<vmem>>) target(%dma_start3A_96 : memref<16xi32, #tpu.memory_space<hbm>>) target_semaphore(%run_scoped3A : memref<!tpu.dma_semaphore, #tpu.memory_space<semaphore_mem>>)
      %dma_wait3A_97 = arith.constant 0 : i32
      %dma_wait3A_98 = tpu.memref_slice %arg3[%add3A, %dma_wait3A_97] : memref<32x16xi32, #tpu.memory_space<hbm>> -> memref<1x16xi32, #tpu.memory_space<hbm>>
      %dma_wait3A_99 = tpu.memref_squeeze %dma_wait3A_98 : memref<1x16xi32, #tpu.memory_space<hbm>> -> memref<16xi32, #tpu.memory_space<hbm>>
      %dma_wait3A_100 = arith.constant 0 : i32
      %dma_wait3A_101 = tpu.memref_slice %arg3[%add3A, %dma_wait3A_100] : memref<32x16xi32, #tpu.memory_space<hbm>> -> memref<1x16xi32, #tpu.memory_space<hbm>>
      %dma_wait3A_102 = tpu.memref_squeeze %dma_wait3A_101 : memref<1x16xi32, #tpu.memory_space<hbm>> -> memref<16xi32, #tpu.memory_space<hbm>>
      tpu.wait_dma2 semaphore(%run_scoped3A : memref<!tpu.dma_semaphore, #tpu.memory_space<semaphore_mem>>) src(%arg5 : memref<16xi32, #tpu.memory_space<vmem>>) dst(%dma_wait3A_102 : memref<16xi32, #tpu.memory_space<hbm>>)
      tpu.yield
    }) : () -> ()
    return
  }
}

</mosaic_0001>

<sc_bundles>
// kernel: kernel.3.cloned.1.call-start
scs
__scs_entry_jumppad:
0x0: {  	(pc) =	sbr.rel $0x88, $3  }
0x1: {  	(tag) =	ssettag $0x0;
	lr =	simm.s32 $0x1  }
0x2: {  	[smem:$0x3FA0] =	sst lr;
	_ =	strace $0xD0000000  }
0x3: {  	_ = 	snop  }
0x4: {  	_ = 	snop  }
0x5: {  	_ = 	snop  }
0x6: {  	_ = 	snop  }
0x7: {  	_ = 	snop  }
__scs_overlays_trampoline_lowered:
0x8: {  	[smem:$0x3FAF] =	sst s0  }
0x9: {  	[smem:$0x3FB0] =	sst s1  }
0xa: {  	[smem:$0x3FB1] =	sst s2  }
0xb: {  	[smem:$0x3FB2] =	sst s3  }
0xc: {  	[smem:$0x3FB3] =	sst s4  }
0xd: {  	[smem:$0x3FB4] =	sst s5  }
0xe: {  	[smem:$0x3FB5] =	sst s6  }
0xf: {  	[smem:$0x3FB6] =	sst s7  }
0x10: {  	[smem:$0x3FB7] =	sst s8  }
0x11: {  	[smem:$0x3FB8] =	sst s9;
	s0 =	simm.s32 @!p0 $0x0  }
0x12: {  	s1 =	sld [smem:$0x3F9E];
	s0 =	simm.s32 @p0 $0x1  }
0x13: {  	[smem:$0x3FB9] =	sst s0;
	s0 =	simm.s32 @!p1 $0x0  }
0x14: {  	s2 =	sld [smem:$0x3F9D];
	s0 =	simm.s32 @p1 $0x1  }
0x15: {  	[smem:$0x3FBA] =	sst s0;
	s0 =	simm.s32 @!p2 $0x0  }
0x16: {  	s3 =	sld [smem:$0x3FDB];
	s0 =	simm.s32 @p2 $0x1  }
0x17: {  	s4 =	simm.s32 $0x1BF5;
	[smem:$0x3FBC] =	sst s0  }
0x18: {  	s0 =	sld [smem:$0x3F9F];
	_ =	swait.ge [sflag:s4], $0x0  }
0x19: {  	s7 =	sld [smem:$0x3FA0]  }
0x1a: {  	s8 =	sadd.s32 $0xFFFFE003, lr  }
0x1b: {  	s9 =	sadd.s32 $0xFFFFFEF7, lr;
	s5 =	simm.s32 $0xFFFFFFFF;
	p2 =	slt.u32 s8, $0xFFFFF086  }
0x1c: {  	p1 =	slt.u32 s9, $0xF7A;
	s5 =	simm.s32 @!p2 $0x0  }
0x1d: {  	s5 =	simm.s32 @p1 $0x1;
	p0 =	seq.s32 s7, s2  }
0x1e: {  	s7 =	smul.u32 @!p0 $0xF7A, s2;
	p2 =	seq.s32 @!p0 s5, $0x0  }
0x1f: {  	s9 =	smul.u32 $0xF7A, s1;
	s8 =	simm.s32 @!p0 $0x1BF5;
	p2 =	por !p2, p0  }
0x20: {  	[sflag:s8] =	ssyncset.s32 @!p0 $0xFFFFF086;
	s6 =	sadd.s32 @!p0 s3, s7;
	s7 =	simm.s32 @!p0 $0x108  }
0x21: {  	s3 =	sadd.s32 s3, s9;
	s6 =	sadd.s32 @!p0 $0x88, s6;
	s7 =	simm.s32 @p2 $0x1082  }
0x22: {  	[simem:s7], [sflag:s8] =	dma.local @!p0 [hbm:s6], $0xF7A  }
0x23: {  	s9 =	sor.u32 $0xD0000000, s2;
	s6 =	simm.s32 $0x108;
	_ =	swait.ge @!p0 [sflag:s8], $0x0  }
0x24: {  	s3 =	sadd.s32 $0x88, s3;
	s6 =	simm.s32 @!p1 $0x1082;
	[sflag:s4] =	ssyncset.s32 $0xFFFFF086  }
0x25: {  	[simem:s6], [sflag:s4] =	dma.local [hbm:s3], $0xF7A  }
0x26: {  	[smem:$0x3FA0] =	sst s1;
	(tag) =	ssettag s2;
	_ =	strace s9  }
0x27: {  	s1 =	sld [smem:$0x3FB0]  }
0x28: {  	s2 =	sld [smem:$0x3FB1]  }
0x29: {  	s4 =	sld [smem:$0x3FB3]  }
0x2a: {  	p0 =	seq.s32 s5, $0x0;
	s5 =	sld [smem:$0x3FB4]  }
0x2b: {  	s6 =	sld [smem:$0x3FB5]  }
0x2c: {  	s7 =	sld [smem:$0x3FB6]  }
0x2d: {  	s3 =	simm.s32 $0x108;
	s8 =	sld [smem:$0x3FB7]  }
0x2e: {  	s3 =	simm.s32 @!p0 $0x1082;
	s9 =	sld [smem:$0x3FB8]  }
0x2f: {  	lr =	sadd.s32 s0, s3;
	s0 =	sld [smem:$0x3FAF]  }
0x30: {  	s3 =	sld [smem:$0x3FB2]  }
0x31: {  	[smem:$0x3FBB] =	sst s10  }
0x32: {  	s10 =	sld [smem:$0x3FB9];
	_ =	sdelay $0x3  }
0x33: {  	p0 =	seq.s32 s10, $0x1;
	s10 =	sld [smem:$0x3FBB];
	_ =	sdelay $0x3  }
0x34: {  	[smem:$0x3FBB] =	sst s10  }
0x35: {  	s10 =	sld [smem:$0x3FBA];
	_ =	sdelay $0x3  }
0x36: {  	p1 =	seq.s32 s10, $0x1;
	s10 =	sld [smem:$0x3FBB];
	_ =	sdelay $0x3  }
0x37: {  	[smem:$0x3FBB] =	sst s10  }
0x38: {  	s10 =	sld [smem:$0x3FBC]  }
0x39: {  	_ = 	snop;
	(pc) =	sbr.ind lr, $3  }
0x3a: {  	_ = 	snop  }
0x3b: {  	_ = 	snop  }
0x3c: {  	p2 =	seq.s32 s10, $0x1;
	s10 =	sld [smem:$0x3FBB]  }
0x3d: {  	_ =	shalt  }
0x3e: {  	_ =	shalt  }
0x3f: {  	_ =	shalt  }
0x40: {  	_ =	shalt  }
0x41: {  	_ =	shalt  }
0x42: {  	_ =	shalt  }
0x43: {  	_ =	shalt  }
0x44: {  	_ =	shalt  }
0x45: {  	_ =	shalt  }
0x46: {  	_ =	shalt  }
0x47: {  	_ =	shalt  }
0x48: {  	_ =	shalt  }
0x49: {  	_ =	shalt  }
0x4a: {  	_ =	shalt  }
0x4b: {  	_ =	shalt  }
0x4c: {  	_ =	shalt  }
0x4d: {  	_ =	shalt  }
0x4e: {  	_ =	shalt  }
0x4f: {  	_ =	shalt  }
0x50: {  	_ =	shalt  }
0x51: {  	_ =	shalt  }
0x52: {  	_ =	shalt  }
0x53: {  	_ =	shalt  }
0x54: {  	_ =	shalt  }
0x55: {  	_ =	shalt  }
0x56: {  	_ =	shalt  }
0x57: {  	_ =	shalt  }
0x58: {  	_ =	shalt  }
0x59: {  	_ =	shalt  }
0x5a: {  	_ =	shalt  }
0x5b: {  	_ =	shalt  }
0x5c: {  	_ =	shalt  }
0x5d: {  	_ =	shalt  }
0x5e: {  	_ =	shalt  }
0x5f: {  	_ =	shalt  }
0x60: {  	_ =	shalt  }
0x61: {  	_ =	shalt  }
0x62: {  	_ =	shalt  }
0x63: {  	_ =	shalt  }
0x64: {  	_ =	shalt  }
0x65: {  	_ =	shalt  }
0x66: {  	_ =	shalt  }
0x67: {  	_ =	shalt  }
0x68: {  	_ =	shalt  }
0x69: {  	_ =	shalt  }
0x6a: {  	_ =	shalt  }
0x6b: {  	_ =	shalt  }
0x6c: {  	_ =	shalt  }
0x6d: {  	_ =	shalt  }
0x6e: {  	_ =	shalt  }
0x6f: {  	_ =	shalt  }
0x70: {  	_ =	shalt  }
0x71: {  	_ =	shalt  }
0x72: {  	_ =	shalt  }
0x73: {  	_ =	shalt  }
0x74: {  	_ =	shalt  }
0x75: {  	_ =	shalt  }
0x76: {  	_ =	shalt  }
0x77: {  	_ =	shalt  }
0x78: {  	_ =	shalt  }
0x79: {  	_ =	shalt  }
0x7a: {  	_ =	shalt  }
0x7b: {  	_ =	shalt  }
0x7c: {  	_ =	shalt  }
0x7d: {  	_ =	shalt  }
0x7e: {  	_ =	shalt  }
0x7f: {  	_ =	shalt  }
0x80: {  	_ =	shalt  }
0x81: {  	_ =	shalt  }
0x82: {  	_ =	shalt  }
0x83: {  	_ =	shalt  }
0x84: {  	_ =	shalt  }
0x85: {  	_ =	shalt  }
0x86: {  	_ =	shalt  }
0x87: {  	_ =	shalt  }
.Lfunc_end0:
.L_simem_size_0:
called_computation_lowered:
.L_overlay_start_0:
0x88: {  	s2 =	sld [smem:$0x3FD9]  }
0x89: {  	s3 =	sld [smem:$0x3FFE];
	_ =	sdelay $0x1  }
0x8a: {  	s1 =	srdreg.scid  }
0x8b: {  	s0 =	sand.u32 $0x1, s1  }
0x8c: {  	s17 =	sshll.u32 s0, $0xA;
	s2 =	sadd.s32 s3, s2  }
0x8d: {  	s2 =	sadd.s32 s2, s17  }
0x8e: {  	[smem:$0x3FC7] =	sst s2  }
0x8f: {  	_ = 	snop  }
0x90: {  	s2 =	sld [smem:$0x3FC9];
	(tm) =	ssettm $0x1  }
0x91: {  	s18 =	sld [smem:$0x3FFB];
	_ =	sdelay $0x3  }
0x92: {  	_ =	strace s18  }
0x93: {  	s3 =	sld [smem:$0x3FFC];
	_ =	sdelay $0x3  }
0x94: {  	_ =	strace s3  }
0x95: {  	s3 =	sld [smem:$0x3FFD];
	_ =	sdelay $0x3  }
0x96: {  	_ =	strace s3  }
0x97: {  	_ =	strace $0x8FFFFFFF  }
0x98: {  	s19 =	sld [smem:$0x3FDB];
	_ =	sdelay $0x1  }
0x99: {  	s4 =	simm.s32 $_scs_section_size  }
0x9a: {  	s5 =	simm.s32 $_size__tile_overlayer_lowered;
	s6 =	simm.s32 $_tile_overlayer_lowered  }
0x9b: {  	s22 =	simm.s32 $0x1BFF;
	s21 =	sshll.u32 s6, $0x1;
	s3 =	sadd.s32 s4, s19  }
0x9c: {  	s7 =	simm.s32 $0x0;
	s20 =	sshll.u32 s5, $0x1;
	s5 =	sadd.s32 s21, s3  }
0x9d: {  	[timem:s7], [sflag:s22] =	dma.local [hbm:s5], s20  }
0x9e: {  	_ =	swait.ge [sflag:s22], s20  }
0x9f: {  	s4 =	ssub.s32 $0x0, s20;
	[sflag:s22] =	ssyncset.done $0x0  }
0xa0: {  	[sflag:s22] =	ssyncadd.s32 s4;
	_ =	sdelay $0x1  }
0xa1: {  	s23 =	simm.s32 $0x1B8B  }
0xa2: {  	_ =	swait.ge [sflag:s23], $0x1  }
0xa3: {  	[sflag:s23] =	ssyncset.done $0x0  }
0xa4: {  	s25 =	simm.s32 $0x1B8E;
	s24 =	sld [smem:$0x3FFE];
	[sflag:s23] =	ssyncadd.s32 $0xFFFFFFFF  }
0xa5: {  	s26 =	simm.s32 $execute0_lowered;
	[smem:$0x3FD2] =	sst s25  }
0xa6: {  	s5 =	sshll.u32 s26, $0x1;
	_ =	strace $0x80000046;
	[dreg:$0x1] =	wrdreg $0xFFFFFFFF  }
0xa7: {  	s28 =	simm.s32 $_size_execute0_lowered;
	s3 =	sadd.s32 s3, s5;
	[dreg:$0x0] =	wrdreg $0x0  }
0xa8: {  	s5 =	sshll.u32 s28, $0x1;
	[dreg:$0x2] =	wrdreg s3  }
0xa9: {  	[dreg:$0x3] =	wrdreg s5  }
0xaa: {  	[dreg:$0x4] =	wrdreg $0xC0  }
0xab: {  	_ =	task [dreg:s7], $0x5FFFF  }
0xac: {  	[dreg:$0x1] =	wrdreg $0xFFFFFFFF  }
0xad: {  	[dreg:$0x0] =	wrdreg $0x60  }
0xae: {  	[dreg:$0x2] =	wrdreg s2  }
0xaf: {  	[dreg:$0x3] =	wrdreg s24  }
0xb0: {  	[dreg:$0x4] =	wrdreg $0x9  }
0xb1: {  	_ =	task.clear_ibuf [dreg:s7], $0x5FFFF;
	_ =	strace $0x90000046  }
0xb2: {  	s29 =	simm.s32 $0x9;
	_ =	strace $0x80000048  }
0xb3: {  	_ =	swait.ge [sflag:s29], $0x1  }
0xb4: {  	[sflag:s29] =	ssyncadd.s32 $0xFFFFFFFF  }
0xb5: {  	_ =	strace $0x90000048  }
0xb6: {  	_ =	sfence  }
0xb7: {  	s30 =	sld [smem:$0x0];
	_ =	sdelay $0x2  }
0xb8: {  	s31 =	sshll.u32 s1, $0xD;
	s1 =	sshrl.u32 s1, $0x2  }
0xb9: {  	s3 =	sand.u32 $0x4000, s31;
	s1 =	sadd.s32 s1, s30  }
0xba: {  	s0 =	sor.u32 s3, s0;
	s1 =	sshll.u32 s1, $0x11  }
0xbb: {  	s0 =	sor.u32 s1, s0  }
0xbc: {  	s0 =	sadd.s32 $0x8F2B, s0  }
0xbd: {  	[sflag:s0] =	ssyncadd.remote.s32 $0x1  }
0xbe: {  	_ =	sfence.sel $0xFFFF  }
0xbf: {  	[dreg:$0x0] =	wrdreg $0xFFFFFFFF;
	(pc) =	sbr.abs _section_cstart, $3  }
0xc0: {  	[dreg:$0x1] =	wrdreg $0xFFFFFFFF  }
0xc1: {  	_ =	task.clear_ibuf [dreg:s7], $0x2FFFF;
	_ =	strace $0x9FFFFFFF  }
0xc2: {  	(tm) =	ssettm $0x7FFFFFFF  }
0xc3: {  	_ =	shalt  }
tec
execute0_lowered:
.L_overlay_start_1:
0x0: {  	(tag) =	ssettag $0x1  }
0x1: {  	s7 =	rddreg [dreg:$0x0]  }
0x2: {  	s0 =	srdreg.scid;
	s8 =	rddreg [dreg:$0x1]  }
0x3: {  	s1 =	stileid.u32;
	s2 =	simm.s32 $0x0;
	s13 =	simm.s32 $0x2  }
0x4: {  	s14 =	simm.s32 $0x3;
	s15 =	simm.s32 $0x8080;
	s16 =	simm.s32 $0x5  }
0x5: {  	s17 =	simm.s32 $0x0;
	s3 =	sand.u32 $0x1, s0;
	s0 =	rddreg [dreg:$0x2]  }
0x6: {  	[smem:$0x7FF] =	sst s2;
	s6 =	sshll.u32 s1, $0x4;
	s4 =	sshll.u32 s3, $0x4  }
0x7: {  	s30 =	ssub.s32 $0x2, s3;
	_ =	strace $0x80000047;
	s12 =	sand.u32 $0x70, s6  }
0x8: {  	s10 =	sor.u32 s1, s4;
	s5 =	sshrl.u32 s30, $0x1;
	s8 =	sadd.s32 s8, s12  }
0x9: {  	s12 =	simm.s32 $0x1;
	s31 =	sshll.u32 s10, $0xC;
	s9 =	ssub.s32 s30, s5  }
0xa: {  	s11 =	sshll.u32 s10, $0x4;
	p0 =	seq.s32 s10, $0x1F;
	s10 =	simm.s32 $0x2000  }
0xb: {  	s3 =	sadd.s32 s7, s31;
	s11 =	sand.u32 $0x180, s11;
	s7 =	sadd.s32 $0x1FC00, s7  }
0xc: {  	s9 =	smax.u32 s9, $0x1;
	s4 =	sadd.s32 $0x400, s3;
	s5 =	sadd.s32 $0x800, s3  }
0xd: {  	vm0 =	vmmov $0xffff;
	v0 =	vimm.s32 $0x0;
	s6 =	sadd.s32 $0xC00, s3;
	s8 =	sadd.s32 s11, s8;
	s11 =	simm.s32 $0x4000  }
.LBB2_1:
0xe: {  	[tilespmem:s2], [sflag:$0x1] =	stream.linear.gather [hbm4b:s3+s2], $0x2008, $0x38;
	[tilespmem:$0x8100] =	vst v63  }
0xf: {  	_ = 	snop  }
0x10: {  	[tilespmem:s10], [sflag:$0x2] =	stream.linear.gather [hbm4b:s4+s2], $0x2008, $0x38;
	[tilespmem:$0x8100] =	vst v63  }
0x11: {  	_ = 	snop  }
0x12: {  	[tilespmem:s11], [sflag:$0x3] =	stream.linear.gather [hbm4b:s5+s2], $0x2008, $0x38;
	[tilespmem:$0x8100] =	vst v63  }
0x13: {  	s18 =	simm.s32 @p0 $0x0;
	s19 =	simm.s32 @p0 $0x6000  }
0x14: {  	[tilespmem:s19], [sflag:$0x4] =	stream.linear.gather @p0 [hbm4b:s7+s18], $0x2000, $0x38;
	[tilespmem:$0x8100] =	vst v63  }
0x15: {  	s18 =	simm.s32 @!p0 $0x0;
	s19 =	simm.s32 @!p0 $0x6000  }
0x16: {  	[tilespmem:s19], [sflag:$0x4] =	stream.linear.gather @!p0 [hbm4b:s6+s18], $0x2008, $0x38;
	[tilespmem:$0x8100] =	vst v63  }
0x17: {  	_ =	swait.ge [sflag:s12], $0x2008  }
0x18: {  	[sflag:s12] =	ssyncset.done $0x0  }
0x19: {  	[sflag:s12] =	ssyncadd.s32 $0xFFFFDFF8  }
0x1a: {  	s31 =	simm.s32 $0x41;
	v4 =	vld [tilespmem:$0x0]  }
0x1b: {  	v6 =	vld [tilespmem:s31+$0x20]  }
0x1c: {  	v1 =	vld [tilespmem:s31+$0x0]  }
0x1d: {  	v3 =	vld [tilespmem:s31+$0xFFFFFFC0]  }
0x1e: {  	v2 =	vld [tilespmem:s31+$0xFFFFFFD0]  }
0x1f: {  	v7 =	vld [tilespmem:s31+$0xFFFFFFE0]  }
0x20: {  	v9 =	vld [tilespmem:s31+$0xFFFFFFF0]  }
0x21: {  	v8 =	vld [tilespmem:s31+$0x10];
	vm1 =	veq.f32 v4, v4  }
0x22: {  	s18 =	simm.s32 $0x0;
	s19 =	simm.s32 $0xC1;
	v4 =	vld [tilespmem:s31+$0x30];
	vm1 =	vmand vm1, vm0  }
.LBB2_2:
0x23: {  	v5 =	vld [tilespmem:s19+$0x20]  }
0x24: {  	vm2 =	veq.f32 v3, v3;
	vm3 =	veq.f32 v1, v1;
	vm4 =	veq.f32 v6, v6;
	s18 =	sadd.s32 $0x8, s18;
	v1 =	vld [tilespmem:s19+$0x0]  }
0x25: {  	vm5 =	veq.f32 v2, v2;
	vm6 =	veq.f32 v7, v7;
	p1 =	slt.u32 s18, $0x1F8;
	v3 =	vld [tilespmem:s19+$0xFFFFFFC0];
	vm7 =	veq.f32 v9, v9  }
.Ltmp0:
0x26: {  	vm2 =	vmand vm5, vm2;
	v2 =	vld [tilespmem:s19+$0xFFFFFFD0];
	vm5 =	vmand vm7, vm6;
	vm6 =	veq.f32 v8, v8;
	(pc) =	sbr.rel @p1 .LBB2_2-.Ltmp0, $4  }
0x27: {  	v7 =	vld [tilespmem:s19+$0xFFFFFFE0];
	vm2 =	vmand vm2, vm5;
	vm3 =	vmand vm6, vm3;
	vm5 =	veq.f32 v4, v4  }
0x28: {  	v9 =	vld [tilespmem:s19+$0xFFFFFFF0];
	vm2 =	vmand vm2, vm3;
	vm3 =	vmand vm5, vm4;
	v6 =	vmov v5  }
0x29: {  	v8 =	vld [tilespmem:s19+$0x10];
	vm2 =	vmand vm2, vm3  }
0x2a: {  	v4 =	vld [tilespmem:s19+$0x30];
	s19 =	sadd.s32 $0x80, s19;
	vm1 =	vmand vm1, vm2  }
0x2b: {  	_ =	swait.ge [sflag:s13], $0x2008  }
0x2c: {  	[sflag:s13] =	ssyncset.done $0x0  }
0x2d: {  	s19 =	simm.s32 $0x2071;
	[sflag:s13] =	ssyncadd.s32 $0xFFFFDFF8  }
0x2e: {  	vm2 =	veq.f32 v3, v3;
	v5 =	vld [tilespmem:s19+$0xFFFFFFF0]  }
0x2f: {  	vm3 =	veq.f32 v2, v2;
	vm4 =	veq.f32 v7, v7;
	vm5 =	veq.f32 v9, v9;
	v2 =	vld [tilespmem:s19+$0xFFFFFFD0]  }
0x30: {  	vm2 =	vmand vm3, vm2;
	vm3 =	vmand vm5, vm4;
	v3 =	vld [tilespmem:s19+$0xFFFFFF90]  }
0x31: {  	vm13 =	veq.f32 v1, v1;
	vm14 =	veq.f32 v8, v8;
	v1 =	vld [tilespmem:s19+$0xFFFFFFA0];
	vm2 =	vmand vm2, vm3  }
0x32: {  	v8 =	vld [tilespmem:s19+$0xFFFFFFC0];
	vm3 =	veq.f32 v6, v6;
	vm4 =	vmand vm14, vm13;
	vm15 =	veq.f32 v4, v4  }
0x33: {  	v4 =	vld [tilespmem:s19+$0xFFFFFFB0];
	vm2 =	vmand vm2, vm4;
	vm3 =	vmand vm15, vm3  }
0x34: {  	v7 =	vld [tilespmem:s19+$0xFFFFFFE0];
	vm2 =	vmand vm2, vm3  }
0x35: {  	s18 =	simm.s32 $0x0;
	v6 =	vld [tilespmem:s19+$0x0];
	s19 =	simm.s32 $0x20F1;
	vm1 =	vmand vm1, vm2  }
.LBB2_4:
0x36: {  	v9 =	vld [tilespmem:s19+$0xFFFFFFF0]  }
0x37: {  	vm2 =	veq.f32 v3, v3;
	vm3 =	veq.f32 v2, v2;
	vm4 =	veq.f32 v5, v5;
	s18 =	sadd.s32 $0x8, s18;
	v2 =	vld [tilespmem:s19+$0xFFFFFFD0]  }
0x38: {  	vm5 =	veq.f32 v1, v1;
	vm6 =	veq.f32 v4, v4;
	p1 =	slt.u32 s18, $0x1F8;
	v3 =	vld [tilespmem:s19+$0xFFFFFF90];
	vm7 =	veq.f32 v8, v8  }
.Ltmp1:
0x39: {  	vm2 =	vmand vm5, vm2;
	v1 =	vld [tilespmem:s19+$0xFFFFFFA0];
	vm5 =	vmand vm7, vm6;
	vm6 =	veq.f32 v7, v7;
	(pc) =	sbr.rel @p1 .LBB2_4-.Ltmp1, $4  }
0x3a: {  	v4 =	vld [tilespmem:s19+$0xFFFFFFB0];
	vm2 =	vmand vm2, vm5;
	vm3 =	vmand vm6, vm3;
	vm5 =	veq.f32 v6, v6  }
0x3b: {  	v8 =	vld [tilespmem:s19+$0xFFFFFFC0];
	vm2 =	vmand vm2, vm3;
	vm3 =	vmand vm5, vm4;
	v5 =	vmov v9  }
0x3c: {  	v7 =	vld [tilespmem:s19+$0xFFFFFFE0];
	vm2 =	vmand vm2, vm3  }
0x3d: {  	v6 =	vld [tilespmem:s19+$0x0];
	s19 =	sadd.s32 $0x80, s19;
	vm1 =	vmand vm1, vm2  }
0x3e: {  	_ =	swait.ge [sflag:s14], $0x2008  }
0x3f: {  	[sflag:s14] =	ssyncset.done $0x0  }
0x40: {  	s19 =	simm.s32 $0x4071;
	[sflag:s14] =	ssyncadd.s32 $0xFFFFDFF8  }
0x41: {  	vm2 =	veq.f32 v3, v3;
	v3 =	vld [tilespmem:s19+$0xFFFFFFF0]  }
0x42: {  	vm3 =	veq.f32 v1, v1;
	vm4 =	veq.f32 v4, v4;
	vm5 =	veq.f32 v8, v8;
	v1 =	vld [tilespmem:s19+$0xFFFFFFD0]  }
0x43: {  	vm2 =	vmand vm3, vm2;
	vm3 =	vmand vm5, vm4;
	v4 =	vld [tilespmem:s19+$0xFFFFFF90]  }
0x44: {  	vm13 =	veq.f32 v2, v2;
	vm14 =	veq.f32 v7, v7;
	v2 =	vld [tilespmem:s19+$0xFFFFFFA0];
	vm2 =	vmand vm2, vm3  }
0x45: {  	v8 =	vld [tilespmem:s19+$0xFFFFFFC0];
	vm3 =	veq.f32 v5, v5;
	vm4 =	vmand vm14, vm13;
	vm15 =	veq.f32 v6, v6  }
0x46: {  	v5 =	vld [tilespmem:s19+$0xFFFFFFB0];
	vm2 =	vmand vm2, vm4;
	vm3 =	vmand vm15, vm3  }
0x47: {  	v7 =	vld [tilespmem:s19+$0xFFFFFFE0];
	vm2 =	vmand vm2, vm3  }
0x48: {  	s18 =	simm.s32 $0x0;
	v6 =	vld [tilespmem:s19+$0x0];
	s19 =	simm.s32 $0x40F1;
	vm1 =	vmand vm1, vm2  }
.LBB2_6:
0x49: {  	v9 =	vld [tilespmem:s19+$0xFFFFFFF0]  }
0x4a: {  	vm2 =	veq.f32 v4, v4;
	vm3 =	veq.f32 v1, v1;
	vm4 =	veq.f32 v3, v3;
	s18 =	sadd.s32 $0x8, s18;
	v1 =	vld [tilespmem:s19+$0xFFFFFFD0]  }
0x4b: {  	vm5 =	veq.f32 v2, v2;
	vm6 =	veq.f32 v5, v5;
	p1 =	slt.u32 s18, $0x1F8;
	v4 =	vld [tilespmem:s19+$0xFFFFFF90];
	vm7 =	veq.f32 v8, v8  }
.Ltmp2:
0x4c: {  	vm2 =	vmand vm5, vm2;
	v2 =	vld [tilespmem:s19+$0xFFFFFFA0];
	vm5 =	vmand vm7, vm6;
	vm6 =	veq.f32 v7, v7;
	(pc) =	sbr.rel @p1 .LBB2_6-.Ltmp2, $4  }
0x4d: {  	v5 =	vld [tilespmem:s19+$0xFFFFFFB0];
	vm2 =	vmand vm2, vm5;
	vm3 =	vmand vm6, vm3;
	vm5 =	veq.f32 v6, v6  }
0x4e: {  	v8 =	vld [tilespmem:s19+$0xFFFFFFC0];
	vm2 =	vmand vm2, vm3;
	vm3 =	vmand vm5, vm4;
	v3 =	vmov v9  }
0x4f: {  	v7 =	vld [tilespmem:s19+$0xFFFFFFE0];
	vm2 =	vmand vm2, vm3  }
0x50: {  	v6 =	vld [tilespmem:s19+$0x0];
	s19 =	sadd.s32 $0x80, s19;
	vm1 =	vmand vm1, vm2  }
0x51: {  	s18 =	simm.s32 @p0 $0x4  }
0x52: {  	_ =	swait.ge @p0 [sflag:s18], $0x2000  }
0x53: {  	[sflag:s18] =	ssyncset.done @p0 $0x0  }
0x54: {  	[sflag:s18] =	ssyncadd.s32 @p0 $0xFFFFE000  }
0x55: {  	v9 =	vld @p0 [tilespmem:$0x7FFF];
	_ =	sdelay $0x4  }
0x56: {  	s18 =	simm.s32 @!p0 $0x4;
	[tilespmem:$0x8000] =	vst @p0 v9  }
0x57: {  	_ =	swait.ge @!p0 [sflag:s18], $0x2008  }
0x58: {  	[sflag:s18] =	ssyncset.done @!p0 $0x0  }
0x59: {  	s19 =	simm.s32 $0x6071;
	[sflag:s18] =	ssyncadd.s32 @!p0 $0xFFFFDFF8  }
0x5a: {  	vm2 =	veq.f32 v4, v4;
	v9 =	vld [tilespmem:s19+$0xFFFFFFF0]  }
0x5b: {  	vm3 =	veq.f32 v2, v2;
	vm4 =	veq.f32 v5, v5;
	vm5 =	veq.f32 v8, v8;
	v2 =	vld [tilespmem:s19+$0xFFFFFFD0]  }
0x5c: {  	vm2 =	vmand vm3, vm2;
	vm3 =	vmand vm5, vm4;
	v4 =	vld [tilespmem:s19+$0xFFFFFF90]  }
0x5d: {  	vm13 =	veq.f32 v1, v1;
	vm14 =	veq.f32 v7, v7;
	vm2 =	vmand vm2, vm3;
	v1 =	vld [tilespmem:s19+$0xFFFFFFA0]  }
0x5e: {  	vm3 =	veq.f32 v3, v3;
	vm4 =	vmand vm14, vm13;
	vm15 =	veq.f32 v6, v6;
	v3 =	vld [tilespmem:s19+$0xFFFFFFB0]  }
0x5f: {  	vm2 =	vmand vm2, vm4;
	vm3 =	vmand vm15, vm3;
	v6 =	vld [tilespmem:s19+$0xFFFFFFC0]  }
0x60: {  	vm2 =	vmand vm2, vm3;
	v7 =	vld [tilespmem:s19+$0xFFFFFFE0]  }
0x61: {  	vm1 =	vmand vm1, vm2;
	s18 =	simm.s32 $0x0;
	v5 =	vld [tilespmem:s19+$0x0];
	s19 =	simm.s32 $0x60F1  }
.LBB2_8:
0x62: {  	v8 =	vld [tilespmem:s19+$0xFFFFFFF0]  }
0x63: {  	vm2 =	veq.f32 v4, v4;
	vm3 =	veq.f32 v2, v2;
	vm4 =	veq.f32 v9, v9;
	s18 =	sadd.s32 $0x8, s18;
	v2 =	vld [tilespmem:s19+$0xFFFFFFD0]  }
0x64: {  	vm5 =	veq.f32 v1, v1;
	vm6 =	veq.f32 v3, v3;
	p1 =	slt.u32 s18, $0x1F8;
	v4 =	vld [tilespmem:s19+$0xFFFFFF90];
	vm7 =	veq.f32 v6, v6  }
.Ltmp3:
0x65: {  	vm2 =	vmand vm5, vm2;
	v1 =	vld [tilespmem:s19+$0xFFFFFFA0];
	vm5 =	vmand vm7, vm6;
	vm6 =	veq.f32 v7, v7;
	(pc) =	sbr.rel @p1 .LBB2_8-.Ltmp3, $4  }
0x66: {  	v3 =	vld [tilespmem:s19+$0xFFFFFFB0];
	vm2 =	vmand vm2, vm5;
	vm3 =	vmand vm6, vm3;
	vm5 =	veq.f32 v5, v5  }
0x67: {  	v6 =	vld [tilespmem:s19+$0xFFFFFFC0];
	vm2 =	vmand vm2, vm3;
	vm3 =	vmand vm5, vm4;
	v9 =	vmov v8  }
0x68: {  	v7 =	vld [tilespmem:s19+$0xFFFFFFE0];
	vm2 =	vmand vm2, vm3  }
0x69: {  	v5 =	vld [tilespmem:s19+$0x0];
	s19 =	sadd.s32 $0x80, s19;
	vm1 =	vmand vm1, vm2  }
0x6a: {  	_ = 	snop  }
0x6b: {  	vm2 =	veq.f32 v4, v4;
	vm3 =	veq.f32 v2, v2;
	vm4 =	veq.f32 v9, v9  }
0x6c: {  	vm5 =	veq.f32 v1, v1;
	vm6 =	veq.f32 v3, v3;
	vm7 =	veq.f32 v6, v6  }
0x6d: {  	vm2 =	vmand vm5, vm2;
	vm13 =	vmand vm7, vm6;
	vm14 =	veq.f32 v7, v7  }
0x6e: {  	vm2 =	vmand vm2, vm13;
	vm3 =	vmand vm14, vm3;
	vm15 =	veq.f32 v5, v5  }
0x6f: {  	vm2 =	vmand vm2, vm3;
	vm3 =	vmand vm15, vm4  }
0x70: {  	vm2 =	vmand vm2, vm3  }
0x71: {  	s17 =	sadd.s32 $0x1, s17;
	vm1 =	vmand vm1, vm2  }
0x72: {  	p1 =	sne.s32 s17, s9;
	v1 =	vsel vm1, $0x1, v0  }
.Ltmp4:
0x73: {  	[tilespmem:$0x8080] =	vst v1;
	(pc) =	sbr.rel @p1 .LBB2_1-.Ltmp4, $4  }
0x74: {  	[hbm4b:s8+s2] =	stream.linear.scatter [tilespmem:s15], [sflag:$0x5], $0x80, $0x38;
	[tilespmem:$0x8100] =	vst v63  }
0x75: {  	_ =	swait.ge [sflag:s16], $0x80  }
0x76: {  	[sflag:s16] =	ssyncset.done $0x0  }
0x77: {  	[sflag:s16] =	ssyncadd.s32 $0xFFFFFF80  }
0x78: {  	_ =	sfence.sel $0x180000  }
0x79: {  	[bflag:$0x0] =	sbarrier.arrive $0xFFFF  }
0x7a: {  	p0 =	sne.s32 s1, $0x0;
	_ =	strace $0x90000047  }
0x7b: {  	s0 =	sadd.s32 @!p0 $0x100000, s0;
	[bflag:$0x2] =	sbarrier.arrive $0xFFFF  }
0x7c: {  	[sflag:s0] =	ssyncadd.tile.s32 @!p0 $0x1;
	_ =	shalt  }
.Lfunc_end2:
_tile_overlayer_lowered:
.L_overlay_start_2:
0x7d: {  	(tag) =	ssettag $0x2  }
0x7e: {  	s0 =	rddreg [dreg:$0x0];
	s2 =	stileid.u32  }
0x7f: {  	s1 =	rddreg [dreg:$0x1];
	p0 =	sne.s32 s2, $0x0  }
0x80: {  	s3 =	rddreg [dreg:$0x2];
	[bflag:$0x3] =	sbarrier.arrive $0xFFFF;
	s2 =	simm.s32 @!p0 $0x1C05  }
0x81: {  	[timem:s3], [sflag:s2] =	dma.local @!p0 [hbm:s0], s1  }
0x82: {  	s0 =	simm.s32 @!p0 $0x5  }
0x83: {  	_ =	swait.ge @!p0 [sflag:s0], s1  }
0x84: {  	s1 =	ssub.s32 @!p0 $0x0, s1;
	[sflag:s0] =	ssyncset.done @!p0 $0x0  }
0x85: {  	[sflag:s0] =	ssyncadd.s32 @!p0 s1  }
0x86: {  	[bflag:$0x3] =	sbarrier.arrive $0xFFFF  }
0x87: {  	_ =	shalt  }

</sc_bundles>
